<compile_context>
chip_gen: v7x
topology: tpu7x:2x2x1
jax: 0.10.2.dev20260603
libtpu: 0.0.44.dev20260713+nightly
codegen_flags: <defaults>
</compile_context>

<pallas_src>
import jax
import jax.numpy as jnp
from jax.experimental import pallas as pl
from jax.experimental.pallas import tpu as pltpu
from jax.experimental.pallas import tpu_sc as plsc

B, N, C, H, E, K = 2, 2048, 1024, 16, 16, 2
Dh = C // H
T = B * N
TB = 512
NTB = T // TB
HP = H // 2
SCALE = Dh ** -0.5
_SQRT_HALF = 0.7071067811865476


def _layernorm(x, g, b):
    m = jnp.mean(x, axis=-1, keepdims=True)
    v = jnp.mean((x - m) ** 2, axis=-1, keepdims=True)
    return (x - m) * jax.lax.rsqrt(v + 1e-5) * g + b


def _ncdf(z):
    return 0.5 * (1.0 + jax.lax.erf(z * _SQRT_HALF))


def _ln_qkv_kernel(x_ref, g_ref, b_ref, w_ref, bias_ref, qkv_ref):
    h = _layernorm(x_ref[...], g_ref[...], b_ref[...])
    qkv_ref[...] = (
        jnp.dot(h.astype(jnp.bfloat16), w_ref[...],
                preferred_element_type=jnp.float32)
        + bias_ref[...]
    ).astype(jnp.bfloat16)


def _attn_kernel(q_ref, k_ref, v_ref, m_ref, o_ref):
    f8 = jnp.float8_e4m3fn
    q2 = q_ref[0]
    k2 = k_ref[0]
    v2 = v_ref[0]
    m0 = m_ref[...]
    o2s = []
    for half in (0, 1):
        m = m0 if half == 0 else jnp.bfloat16(1) - m0
        kh = k2 * m
        s = jax.lax.dot_general(
            q2, kh, (((1,), (1,)), ((), ())),
            preferred_element_type=jnp.float32)
        p = jnp.exp2(s).astype(f8)
        vo = (v2 * m + (jnp.bfloat16(1) - m)).astype(f8)
        o2s.append(jnp.dot(p, vo, preferred_element_type=jnp.float32))
    mf = m0.astype(jnp.float32)
    nf = 1.0 - mf
    num = o2s[0] * mf + o2s[1] * nf
    den = pltpu.roll(o2s[0] * nf + o2s[1] * mf, 64, 1)
    o_ref[0] = (num / den).astype(jnp.bfloat16)


def _proj_gate_kernel(o_ref, w_ref, b_ref, x_ref, g2_ref, b2_ref,
                      wg_ref, noise_ref,
                      x2_ref, h2_ref, clean_ref, std_ref, noisy_ref):
    x2 = (
        x_ref[...]
        + jnp.dot(o_ref[...], w_ref[...], preferred_element_type=jnp.float32)
        + b_ref[...]
    )
    x2_ref[...] = x2
    h2 = _layernorm(x2, g2_ref[...], b2_ref[...])
    h2b = h2.astype(jnp.bfloat16)
    h2_ref[...] = h2b
    gl = jnp.dot(h2b, wg_ref[...], preferred_element_type=jnp.float32)
    clean, raw = gl[:, :E], gl[:, E:]
    std = jax.nn.softplus(raw) + 1e-2
    clean_ref[...] = clean
    std_ref[...] = std
    noisy_ref[...] = clean + noise_ref[...] * std


def _mlp_kernel(x2_ref, h2_ref, fc1_ref, b1_ref, fc2_ref, b2_ref, y_ref):
    a = jnp.dot(h2_ref[...], fc1_ref[...],
                preferred_element_type=jnp.float32)
    a = a + b1_ref[...]
    a = a * _ncdf(a)
    y_ref[...] = (
        x2_ref[...]
        + jnp.dot(a.astype(jnp.bfloat16), fc2_ref[...],
                  preferred_element_type=jnp.float32)
        + b2_ref[...]
    )


NW = 32
TPW = T // NW


def _ncdf_vec(z):
    x = z * _SQRT_HALF
    ax = jnp.abs(x)
    t = 1.0 / (1.0 + 0.3275911 * ax)
    poly = ((((1.061405429 * t - 1.453152027) * t + 1.421413741) * t
             - 0.284496736) * t + 0.254829592) * t
    y = 1.0 - poly * jnp.exp(-ax * ax)
    erf = jnp.where(x >= 0, y, -y)
    return 0.5 * (1.0 + erf)


def _sc_gate_kernel(noisy_hbm, clean_hbm, std_hbm, imp_hbm, load_hbm,
                    nbuf, cbuf, sbuf, ibuf, lbuf):
    wid = jax.lax.axis_index("s") * 2 + jax.lax.axis_index("c")
    base = wid * TPW * E
    pltpu.sync_copy(noisy_hbm.at[pl.ds(base, TPW * E)], nbuf)
    pltpu.sync_copy(clean_hbm.at[pl.ds(base, TPW * E)], cbuf)
    pltpu.sync_copy(std_hbm.at[pl.ds(base, TPW * E)], sbuf)
    iot = jax.lax.broadcasted_iota(jnp.int32, (E,), 0)
    neg = -1e30

    def bmax(x):
        for sh in (8, 4, 2, 1):
            x = jnp.maximum(x, jnp.take(x, jnp.bitwise_xor(iot, sh)))
        return x

    def bmin(x):
        for sh in (8, 4, 2, 1):
            x = jnp.minimum(x, jnp.take(x, jnp.bitwise_xor(iot, sh)))
        return x

    def body(t, carry):
        imp, load = carry
        row = nbuf[pl.ds(t * E, E)]
        crow = cbuf[pl.ds(t * E, E)]
        srow = sbuf[pl.ds(t * E, E)]
        m1 = bmax(row)
        i1 = bmin(jnp.where(row == m1, iot, E))
        oh1 = iot == i1
        n2 = jnp.where(oh1, neg, row)
        m2 = bmax(n2)
        i2 = bmin(jnp.where(n2 == m2, iot, E))
        oh2 = iot == i2
        m3 = bmax(jnp.where(oh2, neg, n2))
        e2 = jnp.exp(m2 - m1)
        g1 = 1.0 / (1.0 + e2)
        imp = imp + jnp.where(oh1, g1, 0.0) + jnp.where(oh2, 1.0 - g1, 0.0)
        rstd = 1.0 / srow
        p_in = _ncdf_vec((crow - m3) * rstd)
        p_out = _ncdf_vec((crow - m2) * rstd)
        load = load + jnp.where(row > m3, p_in, p_out)
        return imp, load

    imp, load = jax.lax.fori_loop(
        0, TPW, body,
        (jnp.zeros((E,), jnp.float32), jnp.zeros((E,), jnp.float32)))
    ibuf[...] = imp
    lbuf[...] = load
    pltpu.sync_copy(ibuf, imp_hbm.at[pl.ds(wid * E, E)])
    pltpu.sync_copy(lbuf, load_hbm.at[pl.ds(wid * E, E)])


def _loss_kernel(imp_ref, load_ref, out_ref):
    imp = jnp.sum(imp_ref[...], axis=0)
    load = jnp.sum(load_ref[...], axis=0)

    def cv_sq(x):
        m = jnp.mean(x)
        v = jnp.sum((x - m) ** 2) / (E - 1)
        return v / (m * m + 1e-10)

    out_ref[...] = (cv_sq(imp) + cv_sq(load)).reshape(1, 1)


def kernel(x, ln1_g, ln1_b, qkv_w, qkv_b, proj_w, proj_b, ln2_g, ln2_b,
           fc1_w, fc1_b, fc2_w, fc2_b, w_gate, w_noise, noise):
    f32 = jnp.float32
    bf16 = jnp.bfloat16
    xf = x.reshape(T, C)
    row = lambda a: a.reshape(1, -1)
    par = lambda n: pltpu.CompilerParams(
        dimension_semantics=("parallel",) * n)

    qscale = jnp.concatenate(
        [jnp.full((C,), SCALE * 1.4426950408889634, f32),
         jnp.ones((2 * C,), f32)])
    qkv_ws = (qkv_w * qscale).astype(bf16)
    qkv_bs = qkv_b * qscale

    qkv = pl.pallas_call(
        _ln_qkv_kernel,
        grid=(NTB,),
        in_specs=[
            pl.BlockSpec((TB, C), lambda i: (i, 0)),
            pl.BlockSpec((1, C), lambda i: (0, 0)),
            pl.BlockSpec((1, C), lambda i: (0, 0)),
            pl.BlockSpec((C, 3 * C), lambda i: (0, 0)),
            pl.BlockSpec((1, 3 * C), lambda i: (0, 0)),
        ],
        out_specs=pl.BlockSpec((TB, 3 * C), lambda i: (i, 0)),
        out_shape=jax.ShapeDtypeStruct((T, 3 * C), bf16),
        compiler_params=par(1),
    )(xf, row(ln1_g), row(ln1_b), qkv_ws, row(qkv_bs))

    qkv3 = qkv.reshape(B, N, 3 * C)
    halfmask = jnp.concatenate(
        [jnp.ones((1, Dh), bf16), jnp.zeros((1, Dh), bf16)], axis=1)
    o = pl.pallas_call(
        _attn_kernel,
        grid=(B, HP),
        in_specs=[
            pl.BlockSpec((1, N, 2 * Dh), lambda b, j: (b, 0, j)),
            pl.BlockSpec((1, N, 2 * Dh), lambda b, j: (b, 0, HP + j)),
            pl.BlockSpec((1, N, 2 * Dh), lambda b, j: (b, 0, 2 * HP + j)),
            pl.BlockSpec((1, 2 * Dh), lambda b, j: (0, 0)),
        ],
        out_specs=pl.BlockSpec((1, N, 2 * Dh), lambda b, j: (b, 0, j)),
        out_shape=jax.ShapeDtypeStruct((B, N, C), bf16),
        compiler_params=par(2),
    )(qkv3, qkv3, qkv3, halfmask)

    wg = jnp.concatenate([w_gate, w_noise], axis=1).astype(bf16)
    x2, h2, clean, std, noisy = pl.pallas_call(
        _proj_gate_kernel,
        grid=(NTB,),
        in_specs=[
            pl.BlockSpec((TB, C), lambda i: (i, 0)),
            pl.BlockSpec((C, C), lambda i: (0, 0)),
            pl.BlockSpec((1, C), lambda i: (0, 0)),
            pl.BlockSpec((TB, C), lambda i: (i, 0)),
            pl.BlockSpec((1, C), lambda i: (0, 0)),
            pl.BlockSpec((1, C), lambda i: (0, 0)),
            pl.BlockSpec((C, 2 * E), lambda i: (0, 0)),
            pl.BlockSpec((TB, E), lambda i: (i, 0)),
        ],
        out_specs=[
            pl.BlockSpec((TB, C), lambda i: (i, 0)),
            pl.BlockSpec((TB, C), lambda i: (i, 0)),
            pl.BlockSpec((TB, E), lambda i: (i, 0)),
            pl.BlockSpec((TB, E), lambda i: (i, 0)),
            pl.BlockSpec((TB, E), lambda i: (i, 0)),
        ],
        out_shape=[
            jax.ShapeDtypeStruct((T, C), f32),
            jax.ShapeDtypeStruct((T, C), bf16),
            jax.ShapeDtypeStruct((T, E), f32),
            jax.ShapeDtypeStruct((T, E), f32),
            jax.ShapeDtypeStruct((T, E), f32),
        ],
        compiler_params=par(1),
    )(o.reshape(T, C), proj_w.astype(bf16), row(proj_b), xf,
      row(ln2_g), row(ln2_b), wg, noise)

    imp, load = pl.kernel(
        _sc_gate_kernel,
        mesh=plsc.VectorSubcoreMesh(
            core_axis_name="c", subcore_axis_name="s"),
        out_type=[
            jax.ShapeDtypeStruct((NW * E,), f32),
            jax.ShapeDtypeStruct((NW * E,), f32),
        ],
        scratch_types=[
            pltpu.VMEM((TPW * E,), f32),
            pltpu.VMEM((TPW * E,), f32),
            pltpu.VMEM((TPW * E,), f32),
            pltpu.VMEM((E,), f32),
            pltpu.VMEM((E,), f32),
        ],
    )(noisy.reshape(T * E), clean.reshape(T * E), std.reshape(T * E))
    imp = imp.reshape(NW, E)
    load = load.reshape(NW, E)

    y = pl.pallas_call(
        _mlp_kernel,
        grid=(NTB,),
        in_specs=[
            pl.BlockSpec((TB, C), lambda i: (i, 0)),
            pl.BlockSpec((TB, C), lambda i: (i, 0)),
            pl.BlockSpec((C, 4 * C), lambda i: (0, 0)),
            pl.BlockSpec((1, 4 * C), lambda i: (0, 0)),
            pl.BlockSpec((4 * C, C), lambda i: (0, 0)),
            pl.BlockSpec((1, C), lambda i: (0, 0)),
        ],
        out_specs=pl.BlockSpec((TB, C), lambda i: (i, 0)),
        out_shape=jax.ShapeDtypeStruct((T, C), f32),
        compiler_params=par(1),
    )(x2, h2, fc1_w.astype(bf16), row(fc1_b), fc2_w.astype(bf16),
      row(fc2_b))

    loss = pl.pallas_call(
        _loss_kernel,
        in_specs=[
            pl.BlockSpec((NW, E), lambda: (0, 0)),
            pl.BlockSpec((NW, E), lambda: (0, 0)),
        ],
        out_specs=pl.BlockSpec((1, 1), lambda: (0, 0)),
        out_shape=jax.ShapeDtypeStruct((1, 1), f32),
    )(imp, load)

    return y.reshape(B, N, C), loss.reshape(())

# --- scband reference (transcript-rebuilt; emitter-appended) ---
"""Pipeline reference for scband-residual-attention-block-38560216383831 (READ-ONLY COPY).

The authoritative reference and input builder live on the scoring server;
editing this copy changes nothing except your own understanding.
"""

import jax, jax.numpy as jnp
import numpy as np
from jax.scipy.stats import norm as jnorm

B, N, C, H, E, K = 2, 2048, 1024, 16, 16, 2
Dh = C // H


def _ln(x, g, b):
    m = jnp.mean(x, axis=-1, keepdims=True)
    v = jnp.var(x, axis=-1, keepdims=True)
    return (x - m) / jnp.sqrt(v + 1e-5) * g + b


def _cv_squared(x):
    eps = 1e-10
    return jnp.var(x, ddof=1) / (jnp.mean(x) ** 2 + eps)


def setup_inputs(seed: int = 0):
    key = jax.random.key(seed)
    ks = jax.random.split(key, 12)
    s = 0.02
    return {
        "x": jax.random.normal(ks[0], (B, N, C), jnp.float32),
        "ln1_g": jnp.ones((C,), jnp.float32),
        "ln1_b": jnp.zeros((C,), jnp.float32),
        "qkv_w": jax.random.normal(ks[1], (C, 3 * C), jnp.float32) * s,
        "qkv_b": jnp.zeros((3 * C,), jnp.float32),
        "proj_w": jax.random.normal(ks[2], (C, C), jnp.float32) * s,
        "proj_b": jnp.zeros((C,), jnp.float32),
        "ln2_g": jnp.ones((C,), jnp.float32),
        "ln2_b": jnp.zeros((C,), jnp.float32),
        "fc1_w": jax.random.normal(ks[3], (C, 4 * C), jnp.float32) * s,
        "fc1_b": jnp.zeros((4 * C,), jnp.float32),
        "fc2_w": jax.random.normal(ks[4], (4 * C, C), jnp.float32) * s,
        "fc2_b": jnp.zeros((C,), jnp.float32),
        "w_gate": jax.random.normal(ks[5], (C, E), jnp.float32) * s,
        "w_noise": jax.random.normal(ks[6], (C, E), jnp.float32) * s,
        "noise": jax.random.normal(ks[7], (B * N, E), jnp.float32),
    }


def reference(x, ln1_g, ln1_b, qkv_w, qkv_b, proj_w, proj_b, ln2_g, ln2_b,
              fc1_w, fc1_b, fc2_w, fc2_b, w_gate, w_noise, noise):
    # --- multi-head self-attention (timm Attention, qkv_bias=True) ---
    h = _ln(x, ln1_g, ln1_b)
    qkv = h @ qkv_w + qkv_b
    qkv = qkv.reshape(B, N, 3, H, Dh).transpose(2, 0, 3, 1, 4)
    q, k, v = qkv[0], qkv[1], qkv[2]
    att = (q @ k.transpose(0, 1, 3, 2)) * (Dh ** -0.5)
    att = jax.nn.softmax(att, axis=-1)
    o = (att @ v).transpose(0, 2, 1, 3).reshape(B, N, C)
    o = o @ proj_w + proj_b
    x = x + o
    # --- noisy top-k gating (train path) ---
    h2 = _ln(x, ln2_g, ln2_b).reshape(B * N, C)
    clean = h2 @ w_gate
    raw = h2 @ w_noise
    std = jax.nn.softplus(raw) + 1e-2
    noisy = clean + noise * std
    top_logits, top_idx = jax.lax.top_k(noisy, K + 1)
    tk_logits = top_logits[:, :K]
    tk_idx = top_idx[:, :K]
    tk_gates = jax.nn.softmax(tk_logits, axis=-1)
    T = B * N
    gates = jnp.zeros((T, E), jnp.float32).at[jnp.arange(T)[:, None], tk_idx].add(tk_gates)
    # --- load-balancing auxiliary loss (_prob_in_top_k + cv_squared) ---
    flat = top_logits.reshape(-1)
    pos_in = jnp.arange(T) * (K + 1) + K
    thr_in = flat[pos_in][:, None]
    thr_out = flat[pos_in - 1][:, None]
    is_in = noisy > thr_in
    p_in = jnorm.cdf((clean - thr_in) / std)
    p_out = jnorm.cdf((clean - thr_out) / std)
    load = jnp.where(is_in, p_in, p_out).sum(0)
    importance = gates.sum(0)
    loss = _cv_squared(importance) + _cv_squared(load)
    # --- dispatch/combine: experts share self.mlp, combine weights by gates ---
    mo = jax.nn.gelu(h2 @ fc1_w + fc1_b, approximate=False) @ fc2_w + fc2_b
    mo = mo * gates.sum(axis=-1, keepdims=True)
    out = x + mo.reshape(B, N, C)
    return out, loss

if __name__ == "__main__":
    import jax
    _d = setup_inputs()
    print(jax.jit(kernel)(*tuple(_d.values())))

</pallas_src>

<mosaic_0001>
#map = affine_map<(d0, d1) -> (0)>
module attributes {stable_mosaic.version = 14 : i64} {
  func.func @_sc_gate_kernel(%arg0: i32, %arg1: i32, %arg2: memref<65536xf32, #tpu.memory_space<hbm>>, %arg3: memref<65536xf32, #tpu.memory_space<hbm>>, %arg4: memref<65536xf32, #tpu.memory_space<hbm>>, %arg5: memref<512xf32, #tpu.memory_space<hbm>>, %arg6: memref<512xf32, #tpu.memory_space<hbm>>, %arg7: memref<2048xf32, #tpu.memory_space<vmem>>, %arg8: memref<2048xf32, #tpu.memory_space<vmem>>, %arg9: memref<2048xf32, #tpu.memory_space<vmem>>, %arg10: memref<16xf32, #tpu.memory_space<vmem>>, %arg11: memref<16xf32, #tpu.memory_space<vmem>>) attributes {dimension_semantics = [#tpu.dimension_semantics<core_parallel>, #tpu.dimension_semantics<subcore_parallel>], iteration_bounds = array<i64: 2, 16>, scalar_prefetch = 0 : i64, scratch_operands = 5 : i64, tpu.core_type = #tpu.core_type<sc_vector_subcore>, window_params = [{transform_indices = #map}, {transform_indices = #map}, {transform_indices = #map}, {transform_indices = #map}, {transform_indices = #map}]} {
    %mul3A = arith.constant 2 : i32
    %mul3A_0 = arith.muli %arg1, %mul3A : i32
    %add3A = arith.addi %mul3A_0, %arg0 : i32
    %mul3A_1 = arith.constant 128 : i32
    %mul3A_2 = arith.muli %add3A, %mul3A_1 : i32
    %mul3A_3 = arith.constant 16 : i32
    %mul3A_4 = arith.muli %mul3A_2, %mul3A_3 : i32
    "tpu.region"() ({
      %run_scoped3A = tpu.sem_alloc : memref<!tpu.dma_semaphore, #tpu.memory_space<semaphore_mem>>
      %dma_start3A = tpu.memref_slice %arg2[%mul3A_4] : memref<65536xf32, #tpu.memory_space<hbm>> -> memref<2048xf32, #tpu.memory_space<hbm>>
      %dma_start3A_24 = tpu.memref_slice %arg2[%mul3A_4] : memref<65536xf32, #tpu.memory_space<hbm>> -> memref<2048xf32, #tpu.memory_space<hbm>>
      tpu.enqueue_dma source(%dma_start3A_24 : memref<2048xf32, #tpu.memory_space<hbm>>) target(%arg7 : memref<2048xf32, #tpu.memory_space<vmem>>) target_semaphore(%run_scoped3A : memref<!tpu.dma_semaphore, #tpu.memory_space<semaphore_mem>>)
      %dma_wait3A = tpu.memref_slice %arg2[%mul3A_4] : memref<65536xf32, #tpu.memory_space<hbm>> -> memref<2048xf32, #tpu.memory_space<hbm>>
      %dma_wait3A_25 = tpu.memref_slice %arg2[%mul3A_4] : memref<65536xf32, #tpu.memory_space<hbm>> -> memref<2048xf32, #tpu.memory_space<hbm>>
      tpu.wait_dma2 semaphore(%run_scoped3A : memref<!tpu.dma_semaphore, #tpu.memory_space<semaphore_mem>>) src(%dma_wait3A_25 : memref<2048xf32, #tpu.memory_space<hbm>>) dst(%arg7 : memref<2048xf32, #tpu.memory_space<vmem>>)
      tpu.yield
    }) : () -> ()
    "tpu.region"() ({
      %run_scoped3A = tpu.sem_alloc : memref<!tpu.dma_semaphore, #tpu.memory_space<semaphore_mem>>
      %dma_start3A = tpu.memref_slice %arg3[%mul3A_4] : memref<65536xf32, #tpu.memory_space<hbm>> -> memref<2048xf32, #tpu.memory_space<hbm>>
      %dma_start3A_24 = tpu.memref_slice %arg3[%mul3A_4] : memref<65536xf32, #tpu.memory_space<hbm>> -> memref<2048xf32, #tpu.memory_space<hbm>>
      tpu.enqueue_dma source(%dma_start3A_24 : memref<2048xf32, #tpu.memory_space<hbm>>) target(%arg8 : memref<2048xf32, #tpu.memory_space<vmem>>) target_semaphore(%run_scoped3A : memref<!tpu.dma_semaphore, #tpu.memory_space<semaphore_mem>>)
      %dma_wait3A = tpu.memref_slice %arg3[%mul3A_4] : memref<65536xf32, #tpu.memory_space<hbm>> -> memref<2048xf32, #tpu.memory_space<hbm>>
      %dma_wait3A_25 = tpu.memref_slice %arg3[%mul3A_4] : memref<65536xf32, #tpu.memory_space<hbm>> -> memref<2048xf32, #tpu.memory_space<hbm>>
      tpu.wait_dma2 semaphore(%run_scoped3A : memref<!tpu.dma_semaphore, #tpu.memory_space<semaphore_mem>>) src(%dma_wait3A_25 : memref<2048xf32, #tpu.memory_space<hbm>>) dst(%arg8 : memref<2048xf32, #tpu.memory_space<vmem>>)
      tpu.yield
    }) : () -> ()
    "tpu.region"() ({
      %run_scoped3A = tpu.sem_alloc : memref<!tpu.dma_semaphore, #tpu.memory_space<semaphore_mem>>
      %dma_start3A = tpu.memref_slice %arg4[%mul3A_4] : memref<65536xf32, #tpu.memory_space<hbm>> -> memref<2048xf32, #tpu.memory_space<hbm>>
      %dma_start3A_24 = tpu.memref_slice %arg4[%mul3A_4] : memref<65536xf32, #tpu.memory_space<hbm>> -> memref<2048xf32, #tpu.memory_space<hbm>>
      tpu.enqueue_dma source(%dma_start3A_24 : memref<2048xf32, #tpu.memory_space<hbm>>) target(%arg9 : memref<2048xf32, #tpu.memory_space<vmem>>) target_semaphore(%run_scoped3A : memref<!tpu.dma_semaphore, #tpu.memory_space<semaphore_mem>>)
      %dma_wait3A = tpu.memref_slice %arg4[%mul3A_4] : memref<65536xf32, #tpu.memory_space<hbm>> -> memref<2048xf32, #tpu.memory_space<hbm>>
      %dma_wait3A_25 = tpu.memref_slice %arg4[%mul3A_4] : memref<65536xf32, #tpu.memory_space<hbm>> -> memref<2048xf32, #tpu.memory_space<hbm>>
      tpu.wait_dma2 semaphore(%run_scoped3A : memref<!tpu.dma_semaphore, #tpu.memory_space<semaphore_mem>>) src(%dma_wait3A_25 : memref<2048xf32, #tpu.memory_space<hbm>>) dst(%arg9 : memref<2048xf32, #tpu.memory_space<vmem>>)
      tpu.yield
    }) : () -> ()
    %iota3A = tpu.iota {dimensions = array<i32: 0>} : vector<16xi32>
    %broadcast_in_dim3A = arith.constant 0.000000e+00 : f32
    %broadcast_in_dim3A_5 = vector.broadcast %broadcast_in_dim3A : f32 to vector<16xf32>
    %broadcast_in_dim3A_6 = arith.constant 0.000000e+00 : f32
    %broadcast_in_dim3A_7 = vector.broadcast %broadcast_in_dim3A_6 : f32 to vector<16xf32>
    %scan3A = arith.constant 0 : i32
    %scan3A_8 = arith.constant 128 : i32
    %scan3A_9 = arith.addi %scan3A, %scan3A_8 : i32
    %scan3A_10 = arith.constant 1 : i32
    %scan3A_11:2 = scf.for %scan3A_24 = %scan3A to %scan3A_9 step %scan3A_10 iter_args(%scan3A_25 = %broadcast_in_dim3A_5, %scan3A_26 = %broadcast_in_dim3A_7) -> (vector<16xf32>, vector<16xf32>)  : i32 {
      %mul3A_27 = arith.constant 16 : i32
      %mul3A_28 = arith.muli %scan3A_24, %mul3A_27 : i32
      %get3A = arith.index_cast %mul3A_28 : i32 to index
      %get3A_29 = tpu.vector_load %arg7[%get3A] {strides = array<i32>} : memref<2048xf32, #tpu.memory_space<vmem>>, vector<16xf32>,
      %get3A_30 = vector.shape_cast %get3A_29 : vector<16xf32> to vector<16xf32>
      %mul3A_31 = arith.constant 16 : i32
      %mul3A_32 = arith.muli %scan3A_24, %mul3A_31 : i32
      %get3A_33 = arith.index_cast %mul3A_32 : i32 to index
      %get3A_34 = tpu.vector_load %arg8[%get3A_33] {strides = array<i32>} : memref<2048xf32, #tpu.memory_space<vmem>>, vector<16xf32>,
      %get3A_35 = vector.shape_cast %get3A_34 : vector<16xf32> to vector<16xf32>
      %mul3A_36 = arith.constant 16 : i32
      %mul3A_37 = arith.muli %scan3A_24, %mul3A_36 : i32
      %get3A_38 = arith.index_cast %mul3A_37 : i32 to index
      %get3A_39 = tpu.vector_load %arg9[%get3A_38] {strides = array<i32>} : memref<2048xf32, #tpu.memory_space<vmem>>, vector<16xf32>,
      %get3A_40 = vector.shape_cast %get3A_39 : vector<16xf32> to vector<16xf32>
      %xor3A = arith.constant 8 : i32
      %xor3A_41 = vector.broadcast %xor3A : i32 to vector<16xi32>
      %xor3A_42 = arith.xori %iota3A, %xor3A_41 : vector<16xi32>
      %lt3A = arith.constant 0 : i32
      %lt3A_43 = vector.broadcast %lt3A : i32 to vector<16xi32>
      %lt3A_44 = arith.cmpi slt, %xor3A_42, %lt3A_43 : vector<16xi32>
      %add3A_45 = arith.constant 16 : i32
      %add3A_46 = vector.broadcast %add3A_45 : i32 to vector<16xi32>
      %add3A_47 = arith.addi %xor3A_42, %add3A_46 : vector<16xi32>
      %select_n3A = arith.select %lt3A_44, %add3A_47, %xor3A_42 : vector<16xi1>, vector<16xi32>
      %broadcast_in_dim3A_48 = vector.shape_cast %select_n3A : vector<16xi32> to vector<16x1xi32>
      %gather3A = vector.shape_cast %broadcast_in_dim3A_48 : vector<16x1xi32> to vector<16xi32>
      %gather3A_49 = tpu.dynamic_gather %get3A_30[%gather3A] in [0] : vector<16xf32>, vector<16xi32> -> vector<16xf32>
      %max3A = arith.maximumf %get3A_30, %gather3A_49 : vector<16xf32>
      %xor3A_50 = arith.constant 4 : i32
      %xor3A_51 = vector.broadcast %xor3A_50 : i32 to vector<16xi32>
      %xor3A_52 = arith.xori %iota3A, %xor3A_51 : vector<16xi32>
      %lt3A_53 = arith.constant 0 : i32
      %lt3A_54 = vector.broadcast %lt3A_53 : i32 to vector<16xi32>
      %lt3A_55 = arith.cmpi slt, %xor3A_52, %lt3A_54 : vector<16xi32>
      %add3A_56 = arith.constant 16 : i32
      %add3A_57 = vector.broadcast %add3A_56 : i32 to vector<16xi32>
      %add3A_58 = arith.addi %xor3A_52, %add3A_57 : vector<16xi32>
      %select_n3A_59 = arith.select %lt3A_55, %add3A_58, %xor3A_52 : vector<16xi1>, vector<16xi32>
      %broadcast_in_dim3A_60 = vector.shape_cast %select_n3A_59 : vector<16xi32> to vector<16x1xi32>
      %gather3A_61 = vector.shape_cast %broadcast_in_dim3A_60 : vector<16x1xi32> to vector<16xi32>
      %gather3A_62 = tpu.dynamic_gather %max3A[%gather3A_61] in [0] : vector<16xf32>, vector<16xi32> -> vector<16xf32>
      %max3A_63 = arith.maximumf %max3A, %gather3A_62 : vector<16xf32>
      %xor3A_64 = arith.constant 2 : i32
      %xor3A_65 = vector.broadcast %xor3A_64 : i32 to vector<16xi32>
      %xor3A_66 = arith.xori %iota3A, %xor3A_65 : vector<16xi32>
      %lt3A_67 = arith.constant 0 : i32
      %lt3A_68 = vector.broadcast %lt3A_67 : i32 to vector<16xi32>
      %lt3A_69 = arith.cmpi slt, %xor3A_66, %lt3A_68 : vector<16xi32>
      %add3A_70 = arith.constant 16 : i32
      %add3A_71 = vector.broadcast %add3A_70 : i32 to vector<16xi32>
      %add3A_72 = arith.addi %xor3A_66, %add3A_71 : vector<16xi32>
      %select_n3A_73 = arith.select %lt3A_69, %add3A_72, %xor3A_66 : vector<16xi1>, vector<16xi32>
      %broadcast_in_dim3A_74 = vector.shape_cast %select_n3A_73 : vector<16xi32> to vector<16x1xi32>
      %gather3A_75 = vector.shape_cast %broadcast_in_dim3A_74 : vector<16x1xi32> to vector<16xi32>
      %gather3A_76 = tpu.dynamic_gather %max3A_63[%gather3A_75] in [0] : vector<16xf32>, vector<16xi32> -> vector<16xf32>
      %max3A_77 = arith.maximumf %max3A_63, %gather3A_76 : vector<16xf32>
      %xor3A_78 = arith.constant 1 : i32
      %xor3A_79 = vector.broadcast %xor3A_78 : i32 to vector<16xi32>
      %xor3A_80 = arith.xori %iota3A, %xor3A_79 : vector<16xi32>
      %lt3A_81 = arith.constant 0 : i32
      %lt3A_82 = vector.broadcast %lt3A_81 : i32 to vector<16xi32>
      %lt3A_83 = arith.cmpi slt, %xor3A_80, %lt3A_82 : vector<16xi32>
      %add3A_84 = arith.constant 16 : i32
      %add3A_85 = vector.broadcast %add3A_84 : i32 to vector<16xi32>
      %add3A_86 = arith.addi %xor3A_80, %add3A_85 : vector<16xi32>
      %select_n3A_87 = arith.select %lt3A_83, %add3A_86, %xor3A_80 : vector<16xi1>, vector<16xi32>
      %broadcast_in_dim3A_88 = vector.shape_cast %select_n3A_87 : vector<16xi32> to vector<16x1xi32>
      %gather3A_89 = vector.shape_cast %broadcast_in_dim3A_88 : vector<16x1xi32> to vector<16xi32>
      %gather3A_90 = tpu.dynamic_gather %max3A_77[%gather3A_89] in [0] : vector<16xf32>, vector<16xi32> -> vector<16xf32>
      %max3A_91 = arith.maximumf %max3A_77, %gather3A_90 : vector<16xf32>
      %eq3A = arith.cmpf oeq, %get3A_30, %max3A_91 : vector<16xf32>
      %jit3A = arith.constant 16 : i32
      %broadcast_in_dim3A_92 = vector.broadcast %jit3A : i32 to vector<16xi32>
      %select_n3A_93 = arith.select %eq3A, %iota3A, %broadcast_in_dim3A_92 : vector<16xi1>, vector<16xi32>
      %xor3A_94 = arith.constant 8 : i32
      %xor3A_95 = vector.broadcast %xor3A_94 : i32 to vector<16xi32>
      %xor3A_96 = arith.xori %iota3A, %xor3A_95 : vector<16xi32>
      %lt3A_97 = arith.constant 0 : i32
      %lt3A_98 = vector.broadcast %lt3A_97 : i32 to vector<16xi32>
      %lt3A_99 = arith.cmpi slt, %xor3A_96, %lt3A_98 : vector<16xi32>
      %add3A_100 = arith.constant 16 : i32
      %add3A_101 = vector.broadcast %add3A_100 : i32 to vector<16xi32>
      %add3A_102 = arith.addi %xor3A_96, %add3A_101 : vector<16xi32>
      %select_n3A_103 = arith.select %lt3A_99, %add3A_102, %xor3A_96 : vector<16xi1>, vector<16xi32>
      %broadcast_in_dim3A_104 = vector.shape_cast %select_n3A_103 : vector<16xi32> to vector<16x1xi32>
      %gather3A_105 = vector.shape_cast %broadcast_in_dim3A_104 : vector<16x1xi32> to vector<16xi32>
      %gather3A_106 = tpu.dynamic_gather %select_n3A_93[%gather3A_105] in [0] : vector<16xi32>, vector<16xi32> -> vector<16xi32>
      %min3A = arith.minsi %select_n3A_93, %gather3A_106 : vector<16xi32>
      %xor3A_107 = arith.constant 4 : i32
      %xor3A_108 = vector.broadcast %xor3A_107 : i32 to vector<16xi32>
      %xor3A_109 = arith.xori %iota3A, %xor3A_108 : vector<16xi32>
      %lt3A_110 = arith.constant 0 : i32
      %lt3A_111 = vector.broadcast %lt3A_110 : i32 to vector<16xi32>
      %lt3A_112 = arith.cmpi slt, %xor3A_109, %lt3A_111 : vector<16xi32>
      %add3A_113 = arith.constant 16 : i32
      %add3A_114 = vector.broadcast %add3A_113 : i32 to vector<16xi32>
      %add3A_115 = arith.addi %xor3A_109, %add3A_114 : vector<16xi32>
      %select_n3A_116 = arith.select %lt3A_112, %add3A_115, %xor3A_109 : vector<16xi1>, vector<16xi32>
      %broadcast_in_dim3A_117 = vector.shape_cast %select_n3A_116 : vector<16xi32> to vector<16x1xi32>
      %gather3A_118 = vector.shape_cast %broadcast_in_dim3A_117 : vector<16x1xi32> to vector<16xi32>
      %gather3A_119 = tpu.dynamic_gather %min3A[%gather3A_118] in [0] : vector<16xi32>, vector<16xi32> -> vector<16xi32>
      %min3A_120 = arith.minsi %min3A, %gather3A_119 : vector<16xi32>
      %xor3A_121 = arith.constant 2 : i32
      %xor3A_122 = vector.broadcast %xor3A_121 : i32 to vector<16xi32>
      %xor3A_123 = arith.xori %iota3A, %xor3A_122 : vector<16xi32>
      %lt3A_124 = arith.constant 0 : i32
      %lt3A_125 = vector.broadcast %lt3A_124 : i32 to vector<16xi32>
      %lt3A_126 = arith.cmpi slt, %xor3A_123, %lt3A_125 : vector<16xi32>
      %add3A_127 = arith.constant 16 : i32
      %add3A_128 = vector.broadcast %add3A_127 : i32 to vector<16xi32>
      %add3A_129 = arith.addi %xor3A_123, %add3A_128 : vector<16xi32>
      %select_n3A_130 = arith.select %lt3A_126, %add3A_129, %xor3A_123 : vector<16xi1>, vector<16xi32>
      %broadcast_in_dim3A_131 = vector.shape_cast %select_n3A_130 : vector<16xi32> to vector<16x1xi32>
      %gather3A_132 = vector.shape_cast %broadcast_in_dim3A_131 : vector<16x1xi32> to vector<16xi32>
      %gather3A_133 = tpu.dynamic_gather %min3A_120[%gather3A_132] in [0] : vector<16xi32>, vector<16xi32> -> vector<16xi32>
      %min3A_134 = arith.minsi %min3A_120, %gather3A_133 : vector<16xi32>
      %xor3A_135 = arith.constant 1 : i32
      %xor3A_136 = vector.broadcast %xor3A_135 : i32 to vector<16xi32>
      %xor3A_137 = arith.xori %iota3A, %xor3A_136 : vector<16xi32>
      %lt3A_138 = arith.constant 0 : i32
      %lt3A_139 = vector.broadcast %lt3A_138 : i32 to vector<16xi32>
      %lt3A_140 = arith.cmpi slt, %xor3A_137, %lt3A_139 : vector<16xi32>
      %add3A_141 = arith.constant 16 : i32
      %add3A_142 = vector.broadcast %add3A_141 : i32 to vector<16xi32>
      %add3A_143 = arith.addi %xor3A_137, %add3A_142 : vector<16xi32>
      %select_n3A_144 = arith.select %lt3A_140, %add3A_143, %xor3A_137 : vector<16xi1>, vector<16xi32>
      %broadcast_in_dim3A_145 = vector.shape_cast %select_n3A_144 : vector<16xi32> to vector<16x1xi32>
      %gather3A_146 = vector.shape_cast %broadcast_in_dim3A_145 : vector<16x1xi32> to vector<16xi32>
      %gather3A_147 = tpu.dynamic_gather %min3A_134[%gather3A_146] in [0] : vector<16xi32>, vector<16xi32> -> vector<16xi32>
      %min3A_148 = arith.minsi %min3A_134, %gather3A_147 : vector<16xi32>
      %eq3A_149 = arith.cmpi eq, %iota3A, %min3A_148 : vector<16xi32>
      %jit3A_150 = arith.constant -1.000000e+30 : f32
      %broadcast_in_dim3A_151 = vector.broadcast %jit3A_150 : f32 to vector<16xf32>
      %select_n3A_152 = arith.select %eq3A_149, %broadcast_in_dim3A_151, %get3A_30 : vector<16xi1>, vector<16xf32>
      %xor3A_153 = arith.constant 8 : i32
      %xor3A_154 = vector.broadcast %xor3A_153 : i32 to vector<16xi32>
      %xor3A_155 = arith.xori %iota3A, %xor3A_154 : vector<16xi32>
      %lt3A_156 = arith.constant 0 : i32
      %lt3A_157 = vector.broadcast %lt3A_156 : i32 to vector<16xi32>
      %lt3A_158 = arith.cmpi slt, %xor3A_155, %lt3A_157 : vector<16xi32>
      %add3A_159 = arith.constant 16 : i32
      %add3A_160 = vector.broadcast %add3A_159 : i32 to vector<16xi32>
      %add3A_161 = arith.addi %xor3A_155, %add3A_160 : vector<16xi32>
      %select_n3A_162 = arith.select %lt3A_158, %add3A_161, %xor3A_155 : vector<16xi1>, vector<16xi32>
      %broadcast_in_dim3A_163 = vector.shape_cast %select_n3A_162 : vector<16xi32> to vector<16x1xi32>
      %gather3A_164 = vector.shape_cast %broadcast_in_dim3A_163 : vector<16x1xi32> to vector<16xi32>
      %gather3A_165 = tpu.dynamic_gather %select_n3A_152[%gather3A_164] in [0] : vector<16xf32>, vector<16xi32> -> vector<16xf32>
      %max3A_166 = arith.maximumf %select_n3A_152, %gather3A_165 : vector<16xf32>
      %xor3A_167 = arith.constant 4 : i32
      %xor3A_168 = vector.broadcast %xor3A_167 : i32 to vector<16xi32>
      %xor3A_169 = arith.xori %iota3A, %xor3A_168 : vector<16xi32>
      %lt3A_170 = arith.constant 0 : i32
      %lt3A_171 = vector.broadcast %lt3A_170 : i32 to vector<16xi32>
      %lt3A_172 = arith.cmpi slt, %xor3A_169, %lt3A_171 : vector<16xi32>
      %add3A_173 = arith.constant 16 : i32
      %add3A_174 = vector.broadcast %add3A_173 : i32 to vector<16xi32>
      %add3A_175 = arith.addi %xor3A_169, %add3A_174 : vector<16xi32>
      %select_n3A_176 = arith.select %lt3A_172, %add3A_175, %xor3A_169 : vector<16xi1>, vector<16xi32>
      %broadcast_in_dim3A_177 = vector.shape_cast %select_n3A_176 : vector<16xi32> to vector<16x1xi32>
      %gather3A_178 = vector.shape_cast %broadcast_in_dim3A_177 : vector<16x1xi32> to vector<16xi32>
      %gather3A_179 = tpu.dynamic_gather %max3A_166[%gather3A_178] in [0] : vector<16xf32>, vector<16xi32> -> vector<16xf32>
      %max3A_180 = arith.maximumf %max3A_166, %gather3A_179 : vector<16xf32>
      %xor3A_181 = arith.constant 2 : i32
      %xor3A_182 = vector.broadcast %xor3A_181 : i32 to vector<16xi32>
      %xor3A_183 = arith.xori %iota3A, %xor3A_182 : vector<16xi32>
      %lt3A_184 = arith.constant 0 : i32
      %lt3A_185 = vector.broadcast %lt3A_184 : i32 to vector<16xi32>
      %lt3A_186 = arith.cmpi slt, %xor3A_183, %lt3A_185 : vector<16xi32>
      %add3A_187 = arith.constant 16 : i32
      %add3A_188 = vector.broadcast %add3A_187 : i32 to vector<16xi32>
      %add3A_189 = arith.addi %xor3A_183, %add3A_188 : vector<16xi32>
      %select_n3A_190 = arith.select %lt3A_186, %add3A_189, %xor3A_183 : vector<16xi1>, vector<16xi32>
      %broadcast_in_dim3A_191 = vector.shape_cast %select_n3A_190 : vector<16xi32> to vector<16x1xi32>
      %gather3A_192 = vector.shape_cast %broadcast_in_dim3A_191 : vector<16x1xi32> to vector<16xi32>
      %gather3A_193 = tpu.dynamic_gather %max3A_180[%gather3A_192] in [0] : vector<16xf32>, vector<16xi32> -> vector<16xf32>
      %max3A_194 = arith.maximumf %max3A_180, %gather3A_193 : vector<16xf32>
      %xor3A_195 = arith.constant 1 : i32
      %xor3A_196 = vector.broadcast %xor3A_195 : i32 to vector<16xi32>
      %xor3A_197 = arith.xori %iota3A, %xor3A_196 : vector<16xi32>
      %lt3A_198 = arith.constant 0 : i32
      %lt3A_199 = vector.broadcast %lt3A_198 : i32 to vector<16xi32>
      %lt3A_200 = arith.cmpi slt, %xor3A_197, %lt3A_199 : vector<16xi32>
      %add3A_201 = arith.constant 16 : i32
      %add3A_202 = vector.broadcast %add3A_201 : i32 to vector<16xi32>
      %add3A_203 = arith.addi %xor3A_197, %add3A_202 : vector<16xi32>
      %select_n3A_204 = arith.select %lt3A_200, %add3A_203, %xor3A_197 : vector<16xi1>, vector<16xi32>
      %broadcast_in_dim3A_205 = vector.shape_cast %select_n3A_204 : vector<16xi32> to vector<16x1xi32>
      %gather3A_206 = vector.shape_cast %broadcast_in_dim3A_205 : vector<16x1xi32> to vector<16xi32>
      %gather3A_207 = tpu.dynamic_gather %max3A_194[%gather3A_206] in [0] : vector<16xf32>, vector<16xi32> -> vector<16xf32>
      %max3A_208 = arith.maximumf %max3A_194, %gather3A_207 : vector<16xf32>
      %eq3A_209 = arith.cmpf oeq, %select_n3A_152, %max3A_208 : vector<16xf32>
      %jit3A_210 = arith.constant 16 : i32
      %broadcast_in_dim3A_211 = vector.broadcast %jit3A_210 : i32 to vector<16xi32>
      %select_n3A_212 = arith.select %eq3A_209, %iota3A, %broadcast_in_dim3A_211 : vector<16xi1>, vector<16xi32>
      %xor3A_213 = arith.constant 8 : i32
      %xor3A_214 = vector.broadcast %xor3A_213 : i32 to vector<16xi32>
      %xor3A_215 = arith.xori %iota3A, %xor3A_214 : vector<16xi32>
      %lt3A_216 = arith.constant 0 : i32
      %lt3A_217 = vector.broadcast %lt3A_216 : i32 to vector<16xi32>
      %lt3A_218 = arith.cmpi slt, %xor3A_215, %lt3A_217 : vector<16xi32>
      %add3A_219 = arith.constant 16 : i32
      %add3A_220 = vector.broadcast %add3A_219 : i32 to vector<16xi32>
      %add3A_221 = arith.addi %xor3A_215, %add3A_220 : vector<16xi32>
      %select_n3A_222 = arith.select %lt3A_218, %add3A_221, %xor3A_215 : vector<16xi1>, vector<16xi32>
      %broadcast_in_dim3A_223 = vector.shape_cast %select_n3A_222 : vector<16xi32> to vector<16x1xi32>
      %gather3A_224 = vector.shape_cast %broadcast_in_dim3A_223 : vector<16x1xi32> to vector<16xi32>
      %gather3A_225 = tpu.dynamic_gather %select_n3A_212[%gather3A_224] in [0] : vector<16xi32>, vector<16xi32> -> vector<16xi32>
      %min3A_226 = arith.minsi %select_n3A_212, %gather3A_225 : vector<16xi32>
      %xor3A_227 = arith.constant 4 : i32
      %xor3A_228 = vector.broadcast %xor3A_227 : i32 to vector<16xi32>
      %xor3A_229 = arith.xori %iota3A, %xor3A_228 : vector<16xi32>
      %lt3A_230 = arith.constant 0 : i32
      %lt3A_231 = vector.broadcast %lt3A_230 : i32 to vector<16xi32>
      %lt3A_232 = arith.cmpi slt, %xor3A_229, %lt3A_231 : vector<16xi32>
      %add3A_233 = arith.constant 16 : i32
      %add3A_234 = vector.broadcast %add3A_233 : i32 to vector<16xi32>
      %add3A_235 = arith.addi %xor3A_229, %add3A_234 : vector<16xi32>
      %select_n3A_236 = arith.select %lt3A_232, %add3A_235, %xor3A_229 : vector<16xi1>, vector<16xi32>
      %broadcast_in_dim3A_237 = vector.shape_cast %select_n3A_236 : vector<16xi32> to vector<16x1xi32>
      %gather3A_238 = vector.shape_cast %broadcast_in_dim3A_237 : vector<16x1xi32> to vector<16xi32>
      %gather3A_239 = tpu.dynamic_gather %min3A_226[%gather3A_238] in [0] : vector<16xi32>, vector<16xi32> -> vector<16xi32>
      %min3A_240 = arith.minsi %min3A_226, %gather3A_239 : vector<16xi32>
      %xor3A_241 = arith.constant 2 : i32
      %xor3A_242 = vector.broadcast %xor3A_241 : i32 to vector<16xi32>
      %xor3A_243 = arith.xori %iota3A, %xor3A_242 : vector<16xi32>
      %lt3A_244 = arith.constant 0 : i32
      %lt3A_245 = vector.broadcast %lt3A_244 : i32 to vector<16xi32>
      %lt3A_246 = arith.cmpi slt, %xor3A_243, %lt3A_245 : vector<16xi32>
      %add3A_247 = arith.constant 16 : i32
      %add3A_248 = vector.broadcast %add3A_247 : i32 to vector<16xi32>
      %add3A_249 = arith.addi %xor3A_243, %add3A_248 : vector<16xi32>
      %select_n3A_250 = arith.select %lt3A_246, %add3A_249, %xor3A_243 : vector<16xi1>, vector<16xi32>
      %broadcast_in_dim3A_251 = vector.shape_cast %select_n3A_250 : vector<16xi32> to vector<16x1xi32>
      %gather3A_252 = vector.shape_cast %broadcast_in_dim3A_251 : vector<16x1xi32> to vector<16xi32>
      %gather3A_253 = tpu.dynamic_gather %min3A_240[%gather3A_252] in [0] : vector<16xi32>, vector<16xi32> -> vector<16xi32>
      %min3A_254 = arith.minsi %min3A_240, %gather3A_253 : vector<16xi32>
      %xor3A_255 = arith.constant 1 : i32
      %xor3A_256 = vector.broadcast %xor3A_255 : i32 to vector<16xi32>
      %xor3A_257 = arith.xori %iota3A, %xor3A_256 : vector<16xi32>
      %lt3A_258 = arith.constant 0 : i32
      %lt3A_259 = vector.broadcast %lt3A_258 : i32 to vector<16xi32>
      %lt3A_260 = arith.cmpi slt, %xor3A_257, %lt3A_259 : vector<16xi32>
      %add3A_261 = arith.constant 16 : i32
      %add3A_262 = vector.broadcast %add3A_261 : i32 to vector<16xi32>
      %add3A_263 = arith.addi %xor3A_257, %add3A_262 : vector<16xi32>
      %select_n3A_264 = arith.select %lt3A_260, %add3A_263, %xor3A_257 : vector<16xi1>, vector<16xi32>
      %broadcast_in_dim3A_265 = vector.shape_cast %select_n3A_264 : vector<16xi32> to vector<16x1xi32>
      %gather3A_266 = vector.shape_cast %broadcast_in_dim3A_265 : vector<16x1xi32> to vector<16xi32>
      %gather3A_267 = tpu.dynamic_gather %min3A_254[%gather3A_266] in [0] : vector<16xi32>, vector<16xi32> -> vector<16xi32>
      %min3A_268 = arith.minsi %min3A_254, %gather3A_267 : vector<16xi32>
      %eq3A_269 = arith.cmpi eq, %iota3A, %min3A_268 : vector<16xi32>
      %jit3A_270 = arith.constant -1.000000e+30 : f32
      %broadcast_in_dim3A_271 = vector.broadcast %jit3A_270 : f32 to vector<16xf32>
      %select_n3A_272 = arith.select %eq3A_269, %broadcast_in_dim3A_271, %select_n3A_152 : vector<16xi1>, vector<16xf32>
      %xor3A_273 = arith.constant 8 : i32
      %xor3A_274 = vector.broadcast %xor3A_273 : i32 to vector<16xi32>
      %xor3A_275 = arith.xori %iota3A, %xor3A_274 : vector<16xi32>
      %lt3A_276 = arith.constant 0 : i32
      %lt3A_277 = vector.broadcast %lt3A_276 : i32 to vector<16xi32>
      %lt3A_278 = arith.cmpi slt, %xor3A_275, %lt3A_277 : vector<16xi32>
      %add3A_279 = arith.constant 16 : i32
      %add3A_280 = vector.broadcast %add3A_279 : i32 to vector<16xi32>
      %add3A_281 = arith.addi %xor3A_275, %add3A_280 : vector<16xi32>
      %select_n3A_282 = arith.select %lt3A_278, %add3A_281, %xor3A_275 : vector<16xi1>, vector<16xi32>
      %broadcast_in_dim3A_283 = vector.shape_cast %select_n3A_282 : vector<16xi32> to vector<16x1xi32>
      %gather3A_284 = vector.shape_cast %broadcast_in_dim3A_283 : vector<16x1xi32> to vector<16xi32>
      %gather3A_285 = tpu.dynamic_gather %select_n3A_272[%gather3A_284] in [0] : vector<16xf32>, vector<16xi32> -> vector<16xf32>
      %max3A_286 = arith.maximumf %select_n3A_272, %gather3A_285 : vector<16xf32>
      %xor3A_287 = arith.constant 4 : i32
      %xor3A_288 = vector.broadcast %xor3A_287 : i32 to vector<16xi32>
      %xor3A_289 = arith.xori %iota3A, %xor3A_288 : vector<16xi32>
      %lt3A_290 = arith.constant 0 : i32
      %lt3A_291 = vector.broadcast %lt3A_290 : i32 to vector<16xi32>
      %lt3A_292 = arith.cmpi slt, %xor3A_289, %lt3A_291 : vector<16xi32>
      %add3A_293 = arith.constant 16 : i32
      %add3A_294 = vector.broadcast %add3A_293 : i32 to vector<16xi32>
      %add3A_295 = arith.addi %xor3A_289, %add3A_294 : vector<16xi32>
      %select_n3A_296 = arith.select %lt3A_292, %add3A_295, %xor3A_289 : vector<16xi1>, vector<16xi32>
      %broadcast_in_dim3A_297 = vector.shape_cast %select_n3A_296 : vector<16xi32> to vector<16x1xi32>
      %gather3A_298 = vector.shape_cast %broadcast_in_dim3A_297 : vector<16x1xi32> to vector<16xi32>
      %gather3A_299 = tpu.dynamic_gather %max3A_286[%gather3A_298] in [0] : vector<16xf32>, vector<16xi32> -> vector<16xf32>
      %max3A_300 = arith.maximumf %max3A_286, %gather3A_299 : vector<16xf32>
      %xor3A_301 = arith.constant 2 : i32
      %xor3A_302 = vector.broadcast %xor3A_301 : i32 to vector<16xi32>
      %xor3A_303 = arith.xori %iota3A, %xor3A_302 : vector<16xi32>
      %lt3A_304 = arith.constant 0 : i32
      %lt3A_305 = vector.broadcast %lt3A_304 : i32 to vector<16xi32>
      %lt3A_306 = arith.cmpi slt, %xor3A_303, %lt3A_305 : vector<16xi32>
      %add3A_307 = arith.constant 16 : i32
      %add3A_308 = vector.broadcast %add3A_307 : i32 to vector<16xi32>
      %add3A_309 = arith.addi %xor3A_303, %add3A_308 : vector<16xi32>
      %select_n3A_310 = arith.select %lt3A_306, %add3A_309, %xor3A_303 : vector<16xi1>, vector<16xi32>
      %broadcast_in_dim3A_311 = vector.shape_cast %select_n3A_310 : vector<16xi32> to vector<16x1xi32>
      %gather3A_312 = vector.shape_cast %broadcast_in_dim3A_311 : vector<16x1xi32> to vector<16xi32>
      %gather3A_313 = tpu.dynamic_gather %max3A_300[%gather3A_312] in [0] : vector<16xf32>, vector<16xi32> -> vector<16xf32>
      %max3A_314 = arith.maximumf %max3A_300, %gather3A_313 : vector<16xf32>
      %xor3A_315 = arith.constant 1 : i32
      %xor3A_316 = vector.broadcast %xor3A_315 : i32 to vector<16xi32>
      %xor3A_317 = arith.xori %iota3A, %xor3A_316 : vector<16xi32>
      %lt3A_318 = arith.constant 0 : i32
      %lt3A_319 = vector.broadcast %lt3A_318 : i32 to vector<16xi32>
      %lt3A_320 = arith.cmpi slt, %xor3A_317, %lt3A_319 : vector<16xi32>
      %add3A_321 = arith.constant 16 : i32
      %add3A_322 = vector.broadcast %add3A_321 : i32 to vector<16xi32>
      %add3A_323 = arith.addi %xor3A_317, %add3A_322 : vector<16xi32>
      %select_n3A_324 = arith.select %lt3A_320, %add3A_323, %xor3A_317 : vector<16xi1>, vector<16xi32>
      %broadcast_in_dim3A_325 = vector.shape_cast %select_n3A_324 : vector<16xi32> to vector<16x1xi32>
      %gather3A_326 = vector.shape_cast %broadcast_in_dim3A_325 : vector<16x1xi32> to vector<16xi32>
      %gather3A_327 = tpu.dynamic_gather %max3A_314[%gather3A_326] in [0] : vector<16xf32>, vector<16xi32> -> vector<16xf32>
      %max3A_328 = arith.maximumf %max3A_314, %gather3A_327 : vector<16xf32>
      %sub3A = arith.subf %max3A_208, %max3A_91 : vector<16xf32>
      %exp3A = math.exp %sub3A : vector<16xf32>
      %add3A_329 = arith.constant 1.000000e+00 : f32
      %add3A_330 = vector.broadcast %add3A_329 : f32 to vector<16xf32>
      %add3A_331 = arith.addf %add3A_330, %exp3A : vector<16xf32>
      %div3A = arith.constant 1.000000e+00 : f32
      %div3A_332 = vector.broadcast %div3A : f32 to vector<16xf32>
      %div3A_333 = arith.divf %div3A_332, %add3A_331 : vector<16xf32>
      %jit3A_334 = arith.constant 0.000000e+00 : f32
      %broadcast_in_dim3A_335 = vector.broadcast %jit3A_334 : f32 to vector<16xf32>
      %select_n3A_336 = arith.select %eq3A_149, %div3A_333, %broadcast_in_dim3A_335 : vector<16xi1>, vector<16xf32>
      %add3A_337 = arith.addf %scan3A_25, %select_n3A_336 : vector<16xf32>
      %sub3A_338 = arith.constant 1.000000e+00 : f32
      %sub3A_339 = vector.broadcast %sub3A_338 : f32 to vector<16xf32>
      %sub3A_340 = arith.subf %sub3A_339, %div3A_333 : vector<16xf32>
      %jit3A_341 = arith.constant 0.000000e+00 : f32
      %broadcast_in_dim3A_342 = vector.broadcast %jit3A_341 : f32 to vector<16xf32>
      %select_n3A_343 = arith.select %eq3A_269, %sub3A_340, %broadcast_in_dim3A_342 : vector<16xi1>, vector<16xf32>
      %add3A_344 = arith.addf %add3A_337, %select_n3A_343 : vector<16xf32>
      %div3A_345 = arith.constant 1.000000e+00 : f32
      %div3A_346 = vector.broadcast %div3A_345 : f32 to vector<16xf32>
      %div3A_347 = arith.divf %div3A_346, %get3A_40 : vector<16xf32>
      %sub3A_348 = arith.subf %get3A_35, %max3A_328 : vector<16xf32>
      %mul3A_349 = arith.mulf %sub3A_348, %div3A_347 : vector<16xf32>
      %mul3A_350 = arith.constant 0.707106769 : f32
      %mul3A_351 = vector.broadcast %mul3A_350 : f32 to vector<16xf32>
      %mul3A_352 = arith.mulf %mul3A_349, %mul3A_351 : vector<16xf32>
      %abs3A = math.absf %mul3A_352 : vector<16xf32>
      %mul3A_353 = arith.constant 0.327591091 : f32
      %mul3A_354 = vector.broadcast %mul3A_353 : f32 to vector<16xf32>
      %mul3A_355 = arith.mulf %mul3A_354, %abs3A : vector<16xf32>
      %add3A_356 = arith.constant 1.000000e+00 : f32
      %add3A_357 = vector.broadcast %add3A_356 : f32 to vector<16xf32>
      %add3A_358 = arith.addf %add3A_357, %mul3A_355 : vector<16xf32>
      %div3A_359 = arith.constant 1.000000e+00 : f32
      %div3A_360 = vector.broadcast %div3A_359 : f32 to vector<16xf32>
      %div3A_361 = arith.divf %div3A_360, %add3A_358 : vector<16xf32>
      %mul3A_362 = arith.constant 1.06140542 : f32
      %mul3A_363 = vector.broadcast %mul3A_362 : f32 to vector<16xf32>
      %mul3A_364 = arith.mulf %mul3A_363, %div3A_361 : vector<16xf32>
      %sub3A_365 = arith.constant 1.45315206 : f32
      %sub3A_366 = vector.broadcast %sub3A_365 : f32 to vector<16xf32>
      %sub3A_367 = arith.subf %mul3A_364, %sub3A_366 : vector<16xf32>
      %mul3A_368 = arith.mulf %sub3A_367, %div3A_361 : vector<16xf32>
      %add3A_369 = arith.constant 1.42141378 : f32
      %add3A_370 = vector.broadcast %add3A_369 : f32 to vector<16xf32>
      %add3A_371 = arith.addf %mul3A_368, %add3A_370 : vector<16xf32>
      %mul3A_372 = arith.mulf %add3A_371, %div3A_361 : vector<16xf32>
      %sub3A_373 = arith.constant 0.284496725 : f32
      %sub3A_374 = vector.broadcast %sub3A_373 : f32 to vector<16xf32>
      %sub3A_375 = arith.subf %mul3A_372, %sub3A_374 : vector<16xf32>
      %mul3A_376 = arith.mulf %sub3A_375, %div3A_361 : vector<16xf32>
      %add3A_377 = arith.constant 0.254829586 : f32
      %add3A_378 = vector.broadcast %add3A_377 : f32 to vector<16xf32>
      %add3A_379 = arith.addf %mul3A_376, %add3A_378 : vector<16xf32>
      %mul3A_380 = arith.mulf %add3A_379, %div3A_361 : vector<16xf32>
      %neg3A = arith.constant 0.000000e+00 : f32
      %neg3A_381 = vector.broadcast %neg3A : f32 to vector<16xf32>
      %neg3A_382 = arith.subf %neg3A_381, %abs3A : vector<16xf32>
      %mul3A_383 = arith.mulf %neg3A_382, %abs3A : vector<16xf32>
      %exp3A_384 = math.exp %mul3A_383 : vector<16xf32>
      %mul3A_385 = arith.mulf %mul3A_380, %exp3A_384 : vector<16xf32>
      %sub3A_386 = arith.constant 1.000000e+00 : f32
      %sub3A_387 = vector.broadcast %sub3A_386 : f32 to vector<16xf32>
      %sub3A_388 = arith.subf %sub3A_387, %mul3A_385 : vector<16xf32>
      %ge3A = arith.constant 0.000000e+00 : f32
      %ge3A_389 = vector.broadcast %ge3A : f32 to vector<16xf32>
      %ge3A_390 = arith.cmpf oge, %mul3A_352, %ge3A_389 : vector<16xf32>
      %neg3A_391 = arith.constant 0.000000e+00 : f32
      %neg3A_392 = vector.broadcast %neg3A_391 : f32 to vector<16xf32>
      %neg3A_393 = arith.subf %neg3A_392, %sub3A_388 : vector<16xf32>
      %select_n3A_394 = arith.select %ge3A_390, %sub3A_388, %neg3A_393 : vector<16xi1>, vector<16xf32>
      %add3A_395 = arith.constant 1.000000e+00 : f32
      %add3A_396 = vector.broadcast %add3A_395 : f32 to vector<16xf32>
      %add3A_397 = arith.addf %add3A_396, %select_n3A_394 : vector<16xf32>
      %mul3A_398 = arith.constant 5.000000e-01 : f32
      %mul3A_399 = vector.broadcast %mul3A_398 : f32 to vector<16xf32>
      %mul3A_400 = arith.mulf %mul3A_399, %add3A_397 : vector<16xf32>
      %sub3A_401 = arith.subf %get3A_35, %max3A_208 : vector<16xf32>
      %mul3A_402 = arith.mulf %sub3A_401, %div3A_347 : vector<16xf32>
      %mul3A_403 = arith.constant 0.707106769 : f32
      %mul3A_404 = vector.broadcast %mul3A_403 : f32 to vector<16xf32>
      %mul3A_405 = arith.mulf %mul3A_402, %mul3A_404 : vector<16xf32>
      %abs3A_406 = math.absf %mul3A_405 : vector<16xf32>
      %mul3A_407 = arith.constant 0.327591091 : f32
      %mul3A_408 = vector.broadcast %mul3A_407 : f32 to vector<16xf32>
      %mul3A_409 = arith.mulf %mul3A_408, %abs3A_406 : vector<16xf32>
      %add3A_410 = arith.constant 1.000000e+00 : f32
      %add3A_411 = vector.broadcast %add3A_410 : f32 to vector<16xf32>
      %add3A_412 = arith.addf %add3A_411, %mul3A_409 : vector<16xf32>
      %div3A_413 = arith.constant 1.000000e+00 : f32
      %div3A_414 = vector.broadcast %div3A_413 : f32 to vector<16xf32>
      %div3A_415 = arith.divf %div3A_414, %add3A_412 : vector<16xf32>
      %mul3A_416 = arith.constant 1.06140542 : f32
      %mul3A_417 = vector.broadcast %mul3A_416 : f32 to vector<16xf32>
      %mul3A_418 = arith.mulf %mul3A_417, %div3A_415 : vector<16xf32>
      %sub3A_419 = arith.constant 1.45315206 : f32
      %sub3A_420 = vector.broadcast %sub3A_419 : f32 to vector<16xf32>
      %sub3A_421 = arith.subf %mul3A_418, %sub3A_420 : vector<16xf32>
      %mul3A_422 = arith.mulf %sub3A_421, %div3A_415 : vector<16xf32>
      %add3A_423 = arith.constant 1.42141378 : f32
      %add3A_424 = vector.broadcast %add3A_423 : f32 to vector<16xf32>
      %add3A_425 = arith.addf %mul3A_422, %add3A_424 : vector<16xf32>
      %mul3A_426 = arith.mulf %add3A_425, %div3A_415 : vector<16xf32>
      %sub3A_427 = arith.constant 0.284496725 : f32
      %sub3A_428 = vector.broadcast %sub3A_427 : f32 to vector<16xf32>
      %sub3A_429 = arith.subf %mul3A_426, %sub3A_428 : vector<16xf32>
      %mul3A_430 = arith.mulf %sub3A_429, %div3A_415 : vector<16xf32>
      %add3A_431 = arith.constant 0.254829586 : f32
      %add3A_432 = vector.broadcast %add3A_431 : f32 to vector<16xf32>
      %add3A_433 = arith.addf %mul3A_430, %add3A_432 : vector<16xf32>
      %mul3A_434 = arith.mulf %add3A_433, %div3A_415 : vector<16xf32>
      %neg3A_435 = arith.constant 0.000000e+00 : f32
      %neg3A_436 = vector.broadcast %neg3A_435 : f32 to vector<16xf32>
      %neg3A_437 = arith.subf %neg3A_436, %abs3A_406 : vector<16xf32>
      %mul3A_438 = arith.mulf %neg3A_437, %abs3A_406 : vector<16xf32>
      %exp3A_439 = math.exp %mul3A_438 : vector<16xf32>
      %mul3A_440 = arith.mulf %mul3A_434, %exp3A_439 : vector<16xf32>
      %sub3A_441 = arith.constant 1.000000e+00 : f32
      %sub3A_442 = vector.broadcast %sub3A_441 : f32 to vector<16xf32>
      %sub3A_443 = arith.subf %sub3A_442, %mul3A_440 : vector<16xf32>
      %ge3A_444 = arith.constant 0.000000e+00 : f32
      %ge3A_445 = vector.broadcast %ge3A_444 : f32 to vector<16xf32>
      %ge3A_446 = arith.cmpf oge, %mul3A_405, %ge3A_445 : vector<16xf32>
      %neg3A_447 = arith.constant 0.000000e+00 : f32
      %neg3A_448 = vector.broadcast %neg3A_447 : f32 to vector<16xf32>
      %neg3A_449 = arith.subf %neg3A_448, %sub3A_443 : vector<16xf32>
      %select_n3A_450 = arith.select %ge3A_446, %sub3A_443, %neg3A_449 : vector<16xi1>, vector<16xf32>
      %add3A_451 = arith.constant 1.000000e+00 : f32
      %add3A_452 = vector.broadcast %add3A_451 : f32 to vector<16xf32>
      %add3A_453 = arith.addf %add3A_452, %select_n3A_450 : vector<16xf32>
      %mul3A_454 = arith.constant 5.000000e-01 : f32
      %mul3A_455 = vector.broadcast %mul3A_454 : f32 to vector<16xf32>
      %mul3A_456 = arith.mulf %mul3A_455, %add3A_453 : vector<16xf32>
      %gt3A = arith.cmpf ogt, %get3A_30, %max3A_328 : vector<16xf32>
      %select_n3A_457 = arith.select %gt3A, %mul3A_400, %mul3A_456 : vector<16xi1>, vector<16xf32>
      %add3A_458 = arith.addf %scan3A_26, %select_n3A_457 : vector<16xf32>
      scf.yield %add3A_344, %add3A_458 : vector<16xf32>, vector<16xf32>
    }
    %scan3A_12 = arith.constant 128 : i32
    %swap3A = arith.constant 0 : index
    %swap3A_13 = tpu.vector_load %arg10[%swap3A] {strides = array<i32>} : memref<16xf32, #tpu.memory_space<vmem>>, vector<16xf32>,
    %swap3A_14 = vector.shape_cast %swap3A_13 : vector<16xf32> to vector<16xf32>
    %swap3A_15 = vector.shape_cast %scan3A_11#0 : vector<16xf32> to vector<16xf32>
    tpu.vector_store %arg10[%swap3A], %swap3A_15 {strides = array<i32>} : memref<16xf32, #tpu.memory_space<vmem>>, vector<16xf32>,
    %swap3A_16 = arith.constant 0 : index
    %swap3A_17 = tpu.vector_load %arg11[%swap3A_16] {strides = array<i32>} : memref<16xf32, #tpu.memory_space<vmem>>, vector<16xf32>,
    %swap3A_18 = vector.shape_cast %swap3A_17 : vector<16xf32> to vector<16xf32>
    %swap3A_19 = vector.shape_cast %scan3A_11#1 : vector<16xf32> to vector<16xf32>
    tpu.vector_store %arg11[%swap3A_16], %swap3A_19 {strides = array<i32>} : memref<16xf32, #tpu.memory_space<vmem>>, vector<16xf32>,
    %mul3A_20 = arith.constant 16 : i32
    %mul3A_21 = arith.muli %add3A, %mul3A_20 : i32
    "tpu.region"() ({
      %run_scoped3A = tpu.sem_alloc : memref<!tpu.dma_semaphore, #tpu.memory_space<semaphore_mem>>
      %dma_start3A = tpu.memref_slice %arg5[%mul3A_21] : memref<512xf32, #tpu.memory_space<hbm>> -> memref<16xf32, #tpu.memory_space<hbm>>
      %dma_start3A_24 = tpu.memref_slice %arg5[%mul3A_21] : memref<512xf32, #tpu.memory_space<hbm>> -> memref<16xf32, #tpu.memory_space<hbm>>
      tpu.enqueue_dma source(%arg10 : memref<16xf32, #tpu.memory_space<vmem>>) target(%dma_start3A_24 : memref<16xf32, #tpu.memory_space<hbm>>) target_semaphore(%run_scoped3A : memref<!tpu.dma_semaphore, #tpu.memory_space<semaphore_mem>>)
      %dma_wait3A = tpu.memref_slice %arg5[%mul3A_21] : memref<512xf32, #tpu.memory_space<hbm>> -> memref<16xf32, #tpu.memory_space<hbm>>
      %dma_wait3A_25 = tpu.memref_slice %arg5[%mul3A_21] : memref<512xf32, #tpu.memory_space<hbm>> -> memref<16xf32, #tpu.memory_space<hbm>>
      tpu.wait_dma2 semaphore(%run_scoped3A : memref<!tpu.dma_semaphore, #tpu.memory_space<semaphore_mem>>) src(%arg10 : memref<16xf32, #tpu.memory_space<vmem>>) dst(%dma_wait3A_25 : memref<16xf32, #tpu.memory_space<hbm>>)
      tpu.yield
    }) : () -> ()
    %mul3A_22 = arith.constant 16 : i32
    %mul3A_23 = arith.muli %add3A, %mul3A_22 : i32
    "tpu.region"() ({
      %run_scoped3A = tpu.sem_alloc : memref<!tpu.dma_semaphore, #tpu.memory_space<semaphore_mem>>
      %dma_start3A = tpu.memref_slice %arg6[%mul3A_23] : memref<512xf32, #tpu.memory_space<hbm>> -> memref<16xf32, #tpu.memory_space<hbm>>
      %dma_start3A_24 = tpu.memref_slice %arg6[%mul3A_23] : memref<512xf32, #tpu.memory_space<hbm>> -> memref<16xf32, #tpu.memory_space<hbm>>
      tpu.enqueue_dma source(%arg11 : memref<16xf32, #tpu.memory_space<vmem>>) target(%dma_start3A_24 : memref<16xf32, #tpu.memory_space<hbm>>) target_semaphore(%run_scoped3A : memref<!tpu.dma_semaphore, #tpu.memory_space<semaphore_mem>>)
      %dma_wait3A = tpu.memref_slice %arg6[%mul3A_23] : memref<512xf32, #tpu.memory_space<hbm>> -> memref<16xf32, #tpu.memory_space<hbm>>
      %dma_wait3A_25 = tpu.memref_slice %arg6[%mul3A_23] : memref<512xf32, #tpu.memory_space<hbm>> -> memref<16xf32, #tpu.memory_space<hbm>>
      tpu.wait_dma2 semaphore(%run_scoped3A : memref<!tpu.dma_semaphore, #tpu.memory_space<semaphore_mem>>) src(%arg11 : memref<16xf32, #tpu.memory_space<vmem>>) dst(%dma_wait3A_25 : memref<16xf32, #tpu.memory_space<hbm>>)
      tpu.yield
    }) : () -> ()
    return
  }
}

module attributes {stable_mosaic.version = 14 : i64} {
  func.func @_ln_qkv_kernel(%arg0: i32, %arg1: memref<512x1024xf32, #tpu.memory_space<vmem>>, %arg2: memref<1x1024xf32, #tpu.memory_space<vmem>>, %arg3: memref<1x1024xf32, #tpu.memory_space<vmem>>, %arg4: memref<1024x3072xbf16, #tpu.memory_space<vmem>>, %arg5: memref<1x3072xf32, #tpu.memory_space<vmem>>, %arg6: memref<512x3072xbf16, #tpu.memory_space<vmem>>) attributes {dimension_semantics = [#tpu.dimension_semantics<parallel>], iteration_bounds = array<i64: 8>, scalar_prefetch = 0 : i64, scratch_operands = 0 : i64, tpu.core_type = #tpu.core_type<tc>, window_params = [{transform_indices = @transform_0, window_bounds = array<i64: 512, 1024>}, {pipeline_mode = #tpu.pipeline_mode<synchronous>, transform_indices = @transform_1, window_bounds = array<i64: 1, 1024>}, {pipeline_mode = #tpu.pipeline_mode<synchronous>, transform_indices = @transform_2, window_bounds = array<i64: 1, 1024>}, {pipeline_mode = #tpu.pipeline_mode<synchronous>, transform_indices = @transform_3, window_bounds = array<i64: 1024, 3072>}, {pipeline_mode = #tpu.pipeline_mode<synchronous>, transform_indices = @transform_4, window_bounds = array<i64: 1, 3072>}, {transform_indices = @transform_5, window_bounds = array<i64: 512, 3072>}]} {
    %get3A = arith.constant 0 : index
    %get3A_0 = arith.constant 0 : index
    %get3A_1 = vector.load %arg1[%get3A, %get3A_0] : memref<512x1024xf32, #tpu.memory_space<vmem>>, vector<512x1024xf32>
    %get3A_2 = arith.constant 0 : index
    %get3A_3 = arith.constant 0 : index
    %get3A_4 = vector.load %arg2[%get3A_2, %get3A_3] : memref<1x1024xf32, #tpu.memory_space<vmem>>, vector<1x1024xf32>
    %get3A_5 = arith.constant 0 : index
    %get3A_6 = arith.constant 0 : index
    %get3A_7 = vector.load %arg3[%get3A_5, %get3A_6] : memref<1x1024xf32, #tpu.memory_space<vmem>>, vector<1x1024xf32>
    %reduce_sum3A = arith.constant dense<0.000000e+00> : vector<512xf32>
    %reduce_sum3A_8 = vector.multi_reduction <add>, %get3A_1, %reduce_sum3A [1] : vector<512x1024xf32> to vector<512xf32>
    %broadcast_in_dim3A = vector.shape_cast %reduce_sum3A_8 : vector<512xf32> to vector<512x1xf32>
    %div3A = arith.constant 1.024000e+03 : f32
    %div3A_9 = vector.broadcast %div3A : f32 to vector<512x1xf32>
    %div3A_10 = arith.divf %broadcast_in_dim3A, %div3A_9 : vector<512x1xf32>
    %sub3A = vector.broadcast %div3A_10 : vector<512x1xf32> to vector<512x1024xf32>
    %sub3A_11 = arith.subf %get3A_1, %sub3A : vector<512x1024xf32>
    %integer_pow3A = arith.mulf %sub3A_11, %sub3A_11 : vector<512x1024xf32>
    %reduce_sum3A_12 = arith.constant dense<0.000000e+00> : vector<512xf32>
    %reduce_sum3A_13 = vector.multi_reduction <add>, %integer_pow3A, %reduce_sum3A_12 [1] : vector<512x1024xf32> to vector<512xf32>
    %broadcast_in_dim3A_14 = vector.shape_cast %reduce_sum3A_13 : vector<512xf32> to vector<512x1xf32>
    %div3A_15 = arith.constant 1.024000e+03 : f32
    %div3A_16 = vector.broadcast %div3A_15 : f32 to vector<512x1xf32>
    %div3A_17 = arith.divf %broadcast_in_dim3A_14, %div3A_16 : vector<512x1xf32>
    %sub3A_18 = vector.broadcast %div3A_10 : vector<512x1xf32> to vector<512x1024xf32>
    %sub3A_19 = arith.subf %get3A_1, %sub3A_18 : vector<512x1024xf32>
    %add3A = arith.constant 9.99999974E-6 : f32
    %add3A_20 = vector.broadcast %add3A : f32 to vector<512x1xf32>
    %add3A_21 = arith.addf %div3A_17, %add3A_20 : vector<512x1xf32>
    %rsqrt3A = math.rsqrt %add3A_21 : vector<512x1xf32>
    %mul3A = vector.broadcast %rsqrt3A : vector<512x1xf32> to vector<512x1024xf32>
    %mul3A_22 = arith.mulf %sub3A_19, %mul3A : vector<512x1024xf32>
    %mul3A_23 = vector.broadcast %get3A_4 : vector<1x1024xf32> to vector<512x1024xf32>
    %mul3A_24 = arith.mulf %mul3A_22, %mul3A_23 : vector<512x1024xf32>
    %add3A_25 = vector.broadcast %get3A_7 : vector<1x1024xf32> to vector<512x1024xf32>
    %add3A_26 = arith.addf %mul3A_24, %add3A_25 : vector<512x1024xf32>
    %convert_element_type3A = arith.truncf %add3A_26 : vector<512x1024xf32> to vector<512x1024xbf16>
    %get3A_27 = arith.constant 0 : index
    %get3A_28 = arith.constant 0 : index
    %get3A_29 = vector.load %arg4[%get3A_27, %get3A_28] : memref<1024x3072xbf16, #tpu.memory_space<vmem>>, vector<1024x3072xbf16>
    %dot_general3A = arith.constant dense<0.000000e+00> : vector<512x3072xf32>
    %dot_general3A_30 = tpu.matmul %convert_element_type3A, %get3A_29, %dot_general3A {dimension_numbers = #tpu.dot_dimension_numbers<[1], [0], [0], [1], [0, 0, 1, 1], [], []>, transpose_lhs_hint = false} : vector<512x1024xbf16>, vector<1024x3072xbf16>, vector<512x3072xf32> -> vector<512x3072xf32>
    %get3A_31 = arith.constant 0 : index
    %get3A_32 = arith.constant 0 : index
    %get3A_33 = vector.load %arg5[%get3A_31, %get3A_32] : memref<1x3072xf32, #tpu.memory_space<vmem>>, vector<1x3072xf32>
    %add3A_34 = vector.broadcast %get3A_33 : vector<1x3072xf32> to vector<512x3072xf32>
    %add3A_35 = arith.addf %dot_general3A_30, %add3A_34 : vector<512x3072xf32>
    %convert_element_type3A_36 = arith.truncf %add3A_35 : vector<512x3072xf32> to vector<512x3072xbf16>
    %swap3A = arith.constant 0 : index
    %swap3A_37 = arith.constant 0 : index
    %swap3A_38 = vector.load %arg6[%swap3A, %swap3A_37] : memref<512x3072xbf16, #tpu.memory_space<vmem>>, vector<512x3072xbf16>
    tpu.vector_store %arg6[%swap3A, %swap3A_37], %convert_element_type3A_36 {strides = array<i32>} : memref<512x3072xbf16, #tpu.memory_space<vmem>>, vector<512x3072xbf16>,
    return
  }
  func.func @transform_0(%arg0: i32) -> (i32, i32) {
    %c0_i32 = arith.constant 0 : i32
    %c0_i32_0 = arith.constant 0 : i32
    return %arg0, %c0_i32 : i32, i32
  }
  func.func @transform_1(%arg0: i32) -> (i32, i32) {
    %c0_i32 = arith.constant 0 : i32
    %c0_i32_0 = arith.constant 0 : i32
    %c0_i32_1 = arith.constant 0 : i32
    return %c0_i32, %c0_i32_0 : i32, i32
  }
  func.func @transform_2(%arg0: i32) -> (i32, i32) {
    %c0_i32 = arith.constant 0 : i32
    %c0_i32_0 = arith.constant 0 : i32
    %c0_i32_1 = arith.constant 0 : i32
    return %c0_i32, %c0_i32_0 : i32, i32
  }
  func.func @transform_3(%arg0: i32) -> (i32, i32) {
    %c0_i32 = arith.constant 0 : i32
    %c0_i32_0 = arith.constant 0 : i32
    %c0_i32_1 = arith.constant 0 : i32
    return %c0_i32, %c0_i32_0 : i32, i32
  }
  func.func @transform_4(%arg0: i32) -> (i32, i32) {
    %c0_i32 = arith.constant 0 : i32
    %c0_i32_0 = arith.constant 0 : i32
    %c0_i32_1 = arith.constant 0 : i32
    return %c0_i32, %c0_i32_0 : i32, i32
  }
  func.func @transform_5(%arg0: i32) -> (i32, i32) {
    %c0_i32 = arith.constant 0 : i32
    %c0_i32_0 = arith.constant 0 : i32
    return %arg0, %c0_i32 : i32, i32
  }
}

module attributes {stable_mosaic.version = 14 : i64} {
  func.func @_attn_kernel(%arg0: i32, %arg1: i32, %arg2: memref<1x2048x128xbf16, #tpu.memory_space<vmem>>, %arg3: memref<1x2048x128xbf16, #tpu.memory_space<vmem>>, %arg4: memref<1x2048x128xbf16, #tpu.memory_space<vmem>>, %arg5: memref<1x128xbf16, #tpu.memory_space<vmem>>, %arg6: memref<1x2048x128xbf16, #tpu.memory_space<vmem>>) attributes {dimension_semantics = [#tpu.dimension_semantics<parallel>, #tpu.dimension_semantics<parallel>], iteration_bounds = array<i64: 2, 8>, scalar_prefetch = 0 : i64, scratch_operands = 0 : i64, tpu.core_type = #tpu.core_type<tc>, window_params = [{transform_indices = @transform_0, window_bounds = array<i64: 1, 2048, 128>}, {transform_indices = @transform_1, window_bounds = array<i64: 1, 2048, 128>}, {transform_indices = @transform_2, window_bounds = array<i64: 1, 2048, 128>}, {pipeline_mode = #tpu.pipeline_mode<synchronous>, transform_indices = @transform_3, window_bounds = array<i64: 1, 128>}, {transform_indices = @transform_4, window_bounds = array<i64: 1, 2048, 128>}]} {
    %get3A = arith.constant 0 : index
    %get3A_0 = arith.constant 0 : index
    %get3A_1 = arith.constant 0 : index
    %get3A_2 = vector.load %arg2[%get3A, %get3A_0, %get3A_1] : memref<1x2048x128xbf16, #tpu.memory_space<vmem>>, vector<1x2048x128xbf16>
    %get3A_3 = vector.shape_cast %get3A_2 : vector<1x2048x128xbf16> to vector<2048x128xbf16>
    %get3A_4 = arith.constant 0 : index
    %get3A_5 = arith.constant 0 : index
    %get3A_6 = arith.constant 0 : index
    %get3A_7 = vector.load %arg3[%get3A_4, %get3A_5, %get3A_6] : memref<1x2048x128xbf16, #tpu.memory_space<vmem>>, vector<1x2048x128xbf16>
    %get3A_8 = vector.shape_cast %get3A_7 : vector<1x2048x128xbf16> to vector<2048x128xbf16>
    %get3A_9 = arith.constant 0 : index
    %get3A_10 = arith.constant 0 : index
    %get3A_11 = arith.constant 0 : index
    %get3A_12 = vector.load %arg4[%get3A_9, %get3A_10, %get3A_11] : memref<1x2048x128xbf16, #tpu.memory_space<vmem>>, vector<1x2048x128xbf16>
    %get3A_13 = vector.shape_cast %get3A_12 : vector<1x2048x128xbf16> to vector<2048x128xbf16>
    %get3A_14 = arith.constant 0 : index
    %get3A_15 = arith.constant 0 : index
    %get3A_16 = vector.load %arg5[%get3A_14, %get3A_15] : memref<1x128xbf16, #tpu.memory_space<vmem>>, vector<1x128xbf16>
    %mul3A = vector.broadcast %get3A_16 : vector<1x128xbf16> to vector<2048x128xbf16>
    %mul3A_17 = arith.mulf %get3A_8, %mul3A : vector<2048x128xbf16>
    %dot_general3A = arith.constant dense<0.000000e+00> : vector<2048x2048xf32>
    %dot_general3A_18 = tpu.matmul %get3A_3, %mul3A_17, %dot_general3A {dimension_numbers = #tpu.dot_dimension_numbers<[1], [1], [0], [0], [0, 0, 1, 0], [], []>, transpose_lhs_hint = false} : vector<2048x128xbf16>, vector<2048x128xbf16>, vector<2048x2048xf32> -> vector<2048x2048xf32>
    %exp23A = math.exp2 %dot_general3A_18 : vector<2048x2048xf32>
    %convert_element_type3A = arith.truncf %exp23A : vector<2048x2048xf32> to vector<2048x2048xf8E4M3FN>
    %mul3A_19 = vector.broadcast %get3A_16 : vector<1x128xbf16> to vector<2048x128xbf16>
    %mul3A_20 = arith.mulf %get3A_13, %mul3A_19 : vector<2048x128xbf16>
    %sub3A = arith.constant 1.000000e+00 : bf16
    %sub3A_21 = vector.broadcast %sub3A : bf16 to vector<1x128xbf16>
    %sub3A_22 = arith.subf %sub3A_21, %get3A_16 : vector<1x128xbf16>
    %add3A = vector.broadcast %sub3A_22 : vector<1x128xbf16> to vector<2048x128xbf16>
    %add3A_23 = arith.addf %mul3A_20, %add3A : vector<2048x128xbf16>
    %convert_element_type3A_24 = arith.truncf %add3A_23 : vector<2048x128xbf16> to vector<2048x128xf8E4M3FN>
    %dot_general3A_25 = arith.constant dense<0.000000e+00> : vector<2048x128xf32>
    %dot_general3A_26 = tpu.matmul %convert_element_type3A, %convert_element_type3A_24, %dot_general3A_25 {dimension_numbers = #tpu.dot_dimension_numbers<[1], [0], [0], [1], [0, 0, 1, 1], [], []>, transpose_lhs_hint = false} : vector<2048x2048xf8E4M3FN>, vector<2048x128xf8E4M3FN>, vector<2048x128xf32> -> vector<2048x128xf32>
    %sub3A_27 = arith.constant 1.000000e+00 : bf16
    %sub3A_28 = vector.broadcast %sub3A_27 : bf16 to vector<1x128xbf16>
    %sub3A_29 = arith.subf %sub3A_28, %get3A_16 : vector<1x128xbf16>
    %mul3A_30 = vector.broadcast %sub3A_29 : vector<1x128xbf16> to vector<2048x128xbf16>
    %mul3A_31 = arith.mulf %get3A_8, %mul3A_30 : vector<2048x128xbf16>
    %dot_general3A_32 = arith.constant dense<0.000000e+00> : vector<2048x2048xf32>
    %dot_general3A_33 = tpu.matmul %get3A_3, %mul3A_31, %dot_general3A_32 {dimension_numbers = #tpu.dot_dimension_numbers<[1], [1], [0], [0], [0, 0, 1, 0], [], []>, transpose_lhs_hint = false} : vector<2048x128xbf16>, vector<2048x128xbf16>, vector<2048x2048xf32> -> vector<2048x2048xf32>
    %exp23A_34 = math.exp2 %dot_general3A_33 : vector<2048x2048xf32>
    %convert_element_type3A_35 = arith.truncf %exp23A_34 : vector<2048x2048xf32> to vector<2048x2048xf8E4M3FN>
    %mul3A_36 = vector.broadcast %sub3A_29 : vector<1x128xbf16> to vector<2048x128xbf16>
    %mul3A_37 = arith.mulf %get3A_13, %mul3A_36 : vector<2048x128xbf16>
    %sub3A_38 = arith.constant 1.000000e+00 : bf16
    %sub3A_39 = vector.broadcast %sub3A_38 : bf16 to vector<1x128xbf16>
    %sub3A_40 = arith.subf %sub3A_39, %sub3A_29 : vector<1x128xbf16>
    %add3A_41 = vector.broadcast %sub3A_40 : vector<1x128xbf16> to vector<2048x128xbf16>
    %add3A_42 = arith.addf %mul3A_37, %add3A_41 : vector<2048x128xbf16>
    %convert_element_type3A_43 = arith.truncf %add3A_42 : vector<2048x128xbf16> to vector<2048x128xf8E4M3FN>
    %dot_general3A_44 = arith.constant dense<0.000000e+00> : vector<2048x128xf32>
    %dot_general3A_45 = tpu.matmul %convert_element_type3A_35, %convert_element_type3A_43, %dot_general3A_44 {dimension_numbers = #tpu.dot_dimension_numbers<[1], [0], [0], [1], [0, 0, 1, 1], [], []>, transpose_lhs_hint = false} : vector<2048x2048xf8E4M3FN>, vector<2048x128xf8E4M3FN>, vector<2048x128xf32> -> vector<2048x128xf32>
    %convert_element_type3A_46 = arith.extf %get3A_16 : vector<1x128xbf16> to vector<1x128xf32>
    %sub3A_47 = arith.constant 1.000000e+00 : f32
    %sub3A_48 = vector.broadcast %sub3A_47 : f32 to vector<1x128xf32>
    %sub3A_49 = arith.subf %sub3A_48, %convert_element_type3A_46 : vector<1x128xf32>
    %mul3A_50 = vector.broadcast %convert_element_type3A_46 : vector<1x128xf32> to vector<2048x128xf32>
    %mul3A_51 = arith.mulf %dot_general3A_26, %mul3A_50 : vector<2048x128xf32>
    %mul3A_52 = vector.broadcast %sub3A_49 : vector<1x128xf32> to vector<2048x128xf32>
    %mul3A_53 = arith.mulf %dot_general3A_45, %mul3A_52 : vector<2048x128xf32>
    %add3A_54 = arith.addf %mul3A_51, %mul3A_53 : vector<2048x128xf32>
    %mul3A_55 = vector.broadcast %sub3A_49 : vector<1x128xf32> to vector<2048x128xf32>
    %mul3A_56 = arith.mulf %dot_general3A_26, %mul3A_55 : vector<2048x128xf32>
    %mul3A_57 = vector.broadcast %convert_element_type3A_46 : vector<1x128xf32> to vector<2048x128xf32>
    %mul3A_58 = arith.mulf %dot_general3A_45, %mul3A_57 : vector<2048x128xf32>
    %add3A_59 = arith.addf %mul3A_56, %mul3A_58 : vector<2048x128xf32>
    %roll3A = arith.constant 64 : i32
    %roll3A_60 = tpu.dynamic_rotate %add3A_59 by %roll3A dim 1 : vector<2048x128xf32>, i32 -> vector<2048x128xf32>
    %div3A = arith.divf %add3A_54, %roll3A_60 : vector<2048x128xf32>
    %convert_element_type3A_61 = arith.truncf %div3A : vector<2048x128xf32> to vector<2048x128xbf16>
    %swap3A = arith.constant 0 : index
    %swap3A_62 = arith.constant 0 : index
    %swap3A_63 = arith.constant 0 : index
    %swap3A_64 = vector.load %arg6[%swap3A, %swap3A_62, %swap3A_63] : memref<1x2048x128xbf16, #tpu.memory_space<vmem>>, vector<1x2048x128xbf16>
    %swap3A_65 = vector.shape_cast %swap3A_64 : vector<1x2048x128xbf16> to vector<2048x128xbf16>
    %swap3A_66 = vector.shape_cast %convert_element_type3A_61 : vector<2048x128xbf16> to vector<1x2048x128xbf16>
    tpu.vector_store %arg6[%swap3A, %swap3A_62, %swap3A_63], %swap3A_66 {strides = array<i32>} : memref<1x2048x128xbf16, #tpu.memory_space<vmem>>, vector<1x2048x128xbf16>,
    return
  }
  func.func @transform_0(%arg0: i32, %arg1: i32) -> (i32, i32, i32) {
    %c0_i32 = arith.constant 0 : i32
    %c0_i32_0 = arith.constant 0 : i32
    return %arg0, %c0_i32, %arg1 : i32, i32, i32
  }
  func.func @transform_1(%arg0: i32, %arg1: i32) -> (i32, i32, i32) {
    %add3A = arith.constant 8 : i32
    %add3A_0 = arith.addi %add3A, %arg1 : i32
    %c0_i32 = arith.constant 0 : i32
    %c0_i32_1 = arith.constant 0 : i32
    return %arg0, %c0_i32, %add3A_0 : i32, i32, i32
  }
  func.func @transform_2(%arg0: i32, %arg1: i32) -> (i32, i32, i32) {
    %add3A = arith.constant 16 : i32
    %add3A_0 = arith.addi %add3A, %arg1 : i32
    %c0_i32 = arith.constant 0 : i32
    %c0_i32_1 = arith.constant 0 : i32
    return %arg0, %c0_i32, %add3A_0 : i32, i32, i32
  }
  func.func @transform_3(%arg0: i32, %arg1: i32) -> (i32, i32) {
    %c0_i32 = arith.constant 0 : i32
    %c0_i32_0 = arith.constant 0 : i32
    %c0_i32_1 = arith.constant 0 : i32
    return %c0_i32, %c0_i32_0 : i32, i32
  }
  func.func @transform_4(%arg0: i32, %arg1: i32) -> (i32, i32, i32) {
    %c0_i32 = arith.constant 0 : i32
    %c0_i32_0 = arith.constant 0 : i32
    return %arg0, %c0_i32, %arg1 : i32, i32, i32
  }
}

module attributes {stable_mosaic.version = 14 : i64} {
  func.func @_proj_gate_kernel(%arg0: i32, %arg1: memref<512x1024xbf16, #tpu.memory_space<vmem>>, %arg2: memref<1024x1024xbf16, #tpu.memory_space<vmem>>, %arg3: memref<1x1024xf32, #tpu.memory_space<vmem>>, %arg4: memref<512x1024xf32, #tpu.memory_space<vmem>>, %arg5: memref<1x1024xf32, #tpu.memory_space<vmem>>, %arg6: memref<1x1024xf32, #tpu.memory_space<vmem>>, %arg7: memref<1024x32xbf16, #tpu.memory_space<vmem>>, %arg8: memref<512x16xf32, #tpu.memory_space<vmem>>, %arg9: memref<512x1024xf32, #tpu.memory_space<vmem>>, %arg10: memref<512x1024xbf16, #tpu.memory_space<vmem>>, %arg11: memref<512x16xf32, #tpu.memory_space<vmem>>, %arg12: memref<512x16xf32, #tpu.memory_space<vmem>>, %arg13: memref<512x16xf32, #tpu.memory_space<vmem>>) attributes {dimension_semantics = [#tpu.dimension_semantics<parallel>], iteration_bounds = array<i64: 8>, scalar_prefetch = 0 : i64, scratch_operands = 0 : i64, tpu.core_type = #tpu.core_type<tc>, window_params = [{transform_indices = @transform_0, window_bounds = array<i64: 512, 1024>}, {pipeline_mode = #tpu.pipeline_mode<synchronous>, transform_indices = @transform_1, window_bounds = array<i64: 1024, 1024>}, {pipeline_mode = #tpu.pipeline_mode<synchronous>, transform_indices = @transform_2, window_bounds = array<i64: 1, 1024>}, {transform_indices = @transform_3, window_bounds = array<i64: 512, 1024>}, {pipeline_mode = #tpu.pipeline_mode<synchronous>, transform_indices = @transform_4, window_bounds = array<i64: 1, 1024>}, {pipeline_mode = #tpu.pipeline_mode<synchronous>, transform_indices = @transform_5, window_bounds = array<i64: 1, 1024>}, {pipeline_mode = #tpu.pipeline_mode<synchronous>, transform_indices = @transform_6, window_bounds = array<i64: 1024, 32>}, {transform_indices = @transform_7, window_bounds = array<i64: 512, 16>}, {transform_indices = @transform_8, window_bounds = array<i64: 512, 1024>}, {transform_indices = @transform_9, window_bounds = array<i64: 512, 1024>}, {transform_indices = @transform_10, window_bounds = array<i64: 512, 16>}, {transform_indices = @transform_11, window_bounds = array<i64: 512, 16>}, {transform_indices = @transform_12, window_bounds = array<i64: 512, 16>}]} {
    %get3A = arith.constant 0 : index
    %get3A_0 = arith.constant 0 : index
    %get3A_1 = vector.load %arg4[%get3A, %get3A_0] : memref<512x1024xf32, #tpu.memory_space<vmem>>, vector<512x1024xf32>
    %get3A_2 = arith.constant 0 : index
    %get3A_3 = arith.constant 0 : index
    %get3A_4 = vector.load %arg1[%get3A_2, %get3A_3] : memref<512x1024xbf16, #tpu.memory_space<vmem>>, vector<512x1024xbf16>
    %get3A_5 = arith.constant 0 : index
    %get3A_6 = arith.constant 0 : index
    %get3A_7 = vector.load %arg2[%get3A_5, %get3A_6] : memref<1024x1024xbf16, #tpu.memory_space<vmem>>, vector<1024x1024xbf16>
    %dot_general3A = arith.constant dense<0.000000e+00> : vector<512x1024xf32>
    %dot_general3A_8 = tpu.matmul %get3A_4, %get3A_7, %dot_general3A {dimension_numbers = #tpu.dot_dimension_numbers<[1], [0], [0], [1], [0, 0, 1, 1], [], []>, transpose_lhs_hint = false} : vector<512x1024xbf16>, vector<1024x1024xbf16>, vector<512x1024xf32> -> vector<512x1024xf32>
    %add3A = arith.addf %get3A_1, %dot_general3A_8 : vector<512x1024xf32>
    %get3A_9 = arith.constant 0 : index
    %get3A_10 = arith.constant 0 : index
    %get3A_11 = vector.load %arg3[%get3A_9, %get3A_10] : memref<1x1024xf32, #tpu.memory_space<vmem>>, vector<1x1024xf32>
    %add3A_12 = vector.broadcast %get3A_11 : vector<1x1024xf32> to vector<512x1024xf32>
    %add3A_13 = arith.addf %add3A, %add3A_12 : vector<512x1024xf32>
    %swap3A = arith.constant 0 : index
    %swap3A_14 = arith.constant 0 : index
    %swap3A_15 = vector.load %arg9[%swap3A, %swap3A_14] : memref<512x1024xf32, #tpu.memory_space<vmem>>, vector<512x1024xf32>
    tpu.vector_store %arg9[%swap3A, %swap3A_14], %add3A_13 {strides = array<i32>} : memref<512x1024xf32, #tpu.memory_space<vmem>>, vector<512x1024xf32>,
    %get3A_16 = arith.constant 0 : index
    %get3A_17 = arith.constant 0 : index
    %get3A_18 = vector.load %arg5[%get3A_16, %get3A_17] : memref<1x1024xf32, #tpu.memory_space<vmem>>, vector<1x1024xf32>
    %get3A_19 = arith.constant 0 : index
    %get3A_20 = arith.constant 0 : index
    %get3A_21 = vector.load %arg6[%get3A_19, %get3A_20] : memref<1x1024xf32, #tpu.memory_space<vmem>>, vector<1x1024xf32>
    %reduce_sum3A = arith.constant dense<0.000000e+00> : vector<512xf32>
    %reduce_sum3A_22 = vector.multi_reduction <add>, %add3A_13, %reduce_sum3A [1] : vector<512x1024xf32> to vector<512xf32>
    %broadcast_in_dim3A = vector.shape_cast %reduce_sum3A_22 : vector<512xf32> to vector<512x1xf32>
    %div3A = arith.constant 1.024000e+03 : f32
    %div3A_23 = vector.broadcast %div3A : f32 to vector<512x1xf32>
    %div3A_24 = arith.divf %broadcast_in_dim3A, %div3A_23 : vector<512x1xf32>
    %sub3A = vector.broadcast %div3A_24 : vector<512x1xf32> to vector<512x1024xf32>
    %sub3A_25 = arith.subf %add3A_13, %sub3A : vector<512x1024xf32>
    %integer_pow3A = arith.mulf %sub3A_25, %sub3A_25 : vector<512x1024xf32>
    %reduce_sum3A_26 = arith.constant dense<0.000000e+00> : vector<512xf32>
    %reduce_sum3A_27 = vector.multi_reduction <add>, %integer_pow3A, %reduce_sum3A_26 [1] : vector<512x1024xf32> to vector<512xf32>
    %broadcast_in_dim3A_28 = vector.shape_cast %reduce_sum3A_27 : vector<512xf32> to vector<512x1xf32>
    %div3A_29 = arith.constant 1.024000e+03 : f32
    %div3A_30 = vector.broadcast %div3A_29 : f32 to vector<512x1xf32>
    %div3A_31 = arith.divf %broadcast_in_dim3A_28, %div3A_30 : vector<512x1xf32>
    %sub3A_32 = vector.broadcast %div3A_24 : vector<512x1xf32> to vector<512x1024xf32>
    %sub3A_33 = arith.subf %add3A_13, %sub3A_32 : vector<512x1024xf32>
    %add3A_34 = arith.constant 9.99999974E-6 : f32
    %add3A_35 = vector.broadcast %add3A_34 : f32 to vector<512x1xf32>
    %add3A_36 = arith.addf %div3A_31, %add3A_35 : vector<512x1xf32>
    %rsqrt3A = math.rsqrt %add3A_36 : vector<512x1xf32>
    %mul3A = vector.broadcast %rsqrt3A : vector<512x1xf32> to vector<512x1024xf32>
    %mul3A_37 = arith.mulf %sub3A_33, %mul3A : vector<512x1024xf32>
    %mul3A_38 = vector.broadcast %get3A_18 : vector<1x1024xf32> to vector<512x1024xf32>
    %mul3A_39 = arith.mulf %mul3A_37, %mul3A_38 : vector<512x1024xf32>
    %add3A_40 = vector.broadcast %get3A_21 : vector<1x1024xf32> to vector<512x1024xf32>
    %add3A_41 = arith.addf %mul3A_39, %add3A_40 : vector<512x1024xf32>
    %convert_element_type3A = arith.truncf %add3A_41 : vector<512x1024xf32> to vector<512x1024xbf16>
    %swap3A_42 = arith.constant 0 : index
    %swap3A_43 = arith.constant 0 : index
    %swap3A_44 = vector.load %arg10[%swap3A_42, %swap3A_43] : memref<512x1024xbf16, #tpu.memory_space<vmem>>, vector<512x1024xbf16>
    tpu.vector_store %arg10[%swap3A_42, %swap3A_43], %convert_element_type3A {strides = array<i32>} : memref<512x1024xbf16, #tpu.memory_space<vmem>>, vector<512x1024xbf16>,
    %get3A_45 = arith.constant 0 : index
    %get3A_46 = arith.constant 0 : index
    %get3A_47 = vector.load %arg7[%get3A_45, %get3A_46] : memref<1024x32xbf16, #tpu.memory_space<vmem>>, vector<1024x32xbf16>
    %dot_general3A_48 = arith.constant dense<0.000000e+00> : vector<512x32xf32>
    %dot_general3A_49 = tpu.matmul %convert_element_type3A, %get3A_47, %dot_general3A_48 {dimension_numbers = #tpu.dot_dimension_numbers<[1], [0], [0], [1], [0, 0, 1, 1], [], []>, transpose_lhs_hint = false} : vector<512x1024xbf16>, vector<1024x32xbf16>, vector<512x32xf32> -> vector<512x32xf32>
    %slice3A = vector.extract_strided_slice %dot_general3A_49 {offsets = [0, 0], sizes = [512, 16], strides = [1, 1]} : vector<512x32xf32> to vector<512x16xf32>
    %slice3A_50 = vector.extract_strided_slice %dot_general3A_49 {offsets = [0, 16], sizes = [512, 16], strides = [1, 1]} : vector<512x32xf32> to vector<512x16xf32>
    %custom_jvp_call3A = arith.constant 0.000000e+00 : f32
    %max3A = vector.broadcast %custom_jvp_call3A : f32 to vector<512x16xf32>
    %max3A_51 = arith.maximumf %slice3A_50, %max3A : vector<512x16xf32>
    %sub3A_52 = vector.broadcast %custom_jvp_call3A : f32 to vector<512x16xf32>
    %sub3A_53 = arith.subf %slice3A_50, %sub3A_52 : vector<512x16xf32>
    %ne3A = arith.cmpf one, %sub3A_53, %sub3A_53 : vector<512x16xf32>
    %add3A_54 = vector.broadcast %custom_jvp_call3A : f32 to vector<512x16xf32>
    %add3A_55 = arith.addf %slice3A_50, %add3A_54 : vector<512x16xf32>
    %abs3A = math.absf %sub3A_53 : vector<512x16xf32>
    %neg3A = arith.constant 0.000000e+00 : f32
    %neg3A_56 = vector.broadcast %neg3A : f32 to vector<512x16xf32>
    %neg3A_57 = arith.subf %neg3A_56, %abs3A : vector<512x16xf32>
    %exp3A = math.exp %neg3A_57 : vector<512x16xf32>
    %log1p3A = math.log1p %exp3A : vector<512x16xf32>
    %add3A_58 = arith.addf %max3A_51, %log1p3A : vector<512x16xf32>
    %select_n3A = arith.select %ne3A, %add3A_55, %add3A_58 : vector<512x16xi1>, vector<512x16xf32>
    %add3A_59 = arith.constant 0.00999999977 : f32
    %add3A_60 = vector.broadcast %add3A_59 : f32 to vector<512x16xf32>
    %add3A_61 = arith.addf %select_n3A, %add3A_60 : vector<512x16xf32>
    %swap3A_62 = arith.constant 0 : index
    %swap3A_63 = arith.constant 0 : index
    %swap3A_64 = vector.load %arg11[%swap3A_62, %swap3A_63] : memref<512x16xf32, #tpu.memory_space<vmem>>, vector<512x16xf32>
    tpu.vector_store %arg11[%swap3A_62, %swap3A_63], %slice3A {strides = array<i32>} : memref<512x16xf32, #tpu.memory_space<vmem>>, vector<512x16xf32>,
    %swap3A_65 = arith.constant 0 : index
    %swap3A_66 = arith.constant 0 : index
    %swap3A_67 = vector.load %arg12[%swap3A_65, %swap3A_66] : memref<512x16xf32, #tpu.memory_space<vmem>>, vector<512x16xf32>
    tpu.vector_store %arg12[%swap3A_65, %swap3A_66], %add3A_61 {strides = array<i32>} : memref<512x16xf32, #tpu.memory_space<vmem>>, vector<512x16xf32>,
    %get3A_68 = arith.constant 0 : index
    %get3A_69 = arith.constant 0 : index
    %get3A_70 = vector.load %arg8[%get3A_68, %get3A_69] : memref<512x16xf32, #tpu.memory_space<vmem>>, vector<512x16xf32>
    %mul3A_71 = arith.mulf %get3A_70, %add3A_61 : vector<512x16xf32>
    %add3A_72 = arith.addf %slice3A, %mul3A_71 : vector<512x16xf32>
    %swap3A_73 = arith.constant 0 : index
    %swap3A_74 = arith.constant 0 : index
    %swap3A_75 = vector.load %arg13[%swap3A_73, %swap3A_74] : memref<512x16xf32, #tpu.memory_space<vmem>>, vector<512x16xf32>
    tpu.vector_store %arg13[%swap3A_73, %swap3A_74], %add3A_72 {strides = array<i32>} : memref<512x16xf32, #tpu.memory_space<vmem>>, vector<512x16xf32>,
    return
  }
  func.func @transform_0(%arg0: i32) -> (i32, i32) {
    %c0_i32 = arith.constant 0 : i32
    %c0_i32_0 = arith.constant 0 : i32
    return %arg0, %c0_i32 : i32, i32
  }
  func.func @transform_1(%arg0: i32) -> (i32, i32) {
    %c0_i32 = arith.constant 0 : i32
    %c0_i32_0 = arith.constant 0 : i32
    %c0_i32_1 = arith.constant 0 : i32
    return %c0_i32, %c0_i32_0 : i32, i32
  }
  func.func @transform_2(%arg0: i32) -> (i32, i32) {
    %c0_i32 = arith.constant 0 : i32
    %c0_i32_0 = arith.constant 0 : i32
    %c0_i32_1 = arith.constant 0 : i32
    return %c0_i32, %c0_i32_0 : i32, i32
  }
  func.func @transform_3(%arg0: i32) -> (i32, i32) {
    %c0_i32 = arith.constant 0 : i32
    %c0_i32_0 = arith.constant 0 : i32
    return %arg0, %c0_i32 : i32, i32
  }
  func.func @transform_4(%arg0: i32) -> (i32, i32) {
    %c0_i32 = arith.constant 0 : i32
    %c0_i32_0 = arith.constant 0 : i32
    %c0_i32_1 = arith.constant 0 : i32
    return %c0_i32, %c0_i32_0 : i32, i32
  }
  func.func @transform_5(%arg0: i32) -> (i32, i32) {
    %c0_i32 = arith.constant 0 : i32
    %c0_i32_0 = arith.constant 0 : i32
    %c0_i32_1 = arith.constant 0 : i32
    return %c0_i32, %c0_i32_0 : i32, i32
  }
  func.func @transform_6(%arg0: i32) -> (i32, i32) {
    %c0_i32 = arith.constant 0 : i32
    %c0_i32_0 = arith.constant 0 : i32
    %c0_i32_1 = arith.constant 0 : i32
    return %c0_i32, %c0_i32_0 : i32, i32
  }
  func.func @transform_7(%arg0: i32) -> (i32, i32) {
    %c0_i32 = arith.constant 0 : i32
    %c0_i32_0 = arith.constant 0 : i32
    return %arg0, %c0_i32 : i32, i32
  }
  func.func @transform_8(%arg0: i32) -> (i32, i32) {
    %c0_i32 = arith.constant 0 : i32
    %c0_i32_0 = arith.constant 0 : i32
    return %arg0, %c0_i32 : i32, i32
  }
  func.func @transform_9(%arg0: i32) -> (i32, i32) {
    %c0_i32 = arith.constant 0 : i32
    %c0_i32_0 = arith.constant 0 : i32
    return %arg0, %c0_i32 : i32, i32
  }
  func.func @transform_10(%arg0: i32) -> (i32, i32) {
    %c0_i32 = arith.constant 0 : i32
    %c0_i32_0 = arith.constant 0 : i32
    return %arg0, %c0_i32 : i32, i32
  }
  func.func @transform_11(%arg0: i32) -> (i32, i32) {
    %c0_i32 = arith.constant 0 : i32
    %c0_i32_0 = arith.constant 0 : i32
    return %arg0, %c0_i32 : i32, i32
  }
  func.func @transform_12(%arg0: i32) -> (i32, i32) {
    %c0_i32 = arith.constant 0 : i32
    %c0_i32_0 = arith.constant 0 : i32
    return %arg0, %c0_i32 : i32, i32
  }
}

module attributes {stable_mosaic.version = 14 : i64} {
  func.func @_mlp_kernel(%arg0: i32, %arg1: memref<512x1024xf32, #tpu.memory_space<vmem>>, %arg2: memref<512x1024xbf16, #tpu.memory_space<vmem>>, %arg3: memref<1024x4096xbf16, #tpu.memory_space<vmem>>, %arg4: memref<1x4096xf32, #tpu.memory_space<vmem>>, %arg5: memref<4096x1024xbf16, #tpu.memory_space<vmem>>, %arg6: memref<1x1024xf32, #tpu.memory_space<vmem>>, %arg7: memref<512x1024xf32, #tpu.memory_space<vmem>>) attributes {dimension_semantics = [#tpu.dimension_semantics<parallel>], iteration_bounds = array<i64: 8>, scalar_prefetch = 0 : i64, scratch_operands = 0 : i64, tpu.core_type = #tpu.core_type<tc>, window_params = [{transform_indices = @transform_0, window_bounds = array<i64: 512, 1024>}, {transform_indices = @transform_1, window_bounds = array<i64: 512, 1024>}, {pipeline_mode = #tpu.pipeline_mode<synchronous>, transform_indices = @transform_2, window_bounds = array<i64: 1024, 4096>}, {pipeline_mode = #tpu.pipeline_mode<synchronous>, transform_indices = @transform_3, window_bounds = array<i64: 1, 4096>}, {pipeline_mode = #tpu.pipeline_mode<synchronous>, transform_indices = @transform_4, window_bounds = array<i64: 4096, 1024>}, {pipeline_mode = #tpu.pipeline_mode<synchronous>, transform_indices = @transform_5, window_bounds = array<i64: 1, 1024>}, {transform_indices = @transform_6, window_bounds = array<i64: 512, 1024>}]} {
    %get3A = arith.constant 0 : index
    %get3A_0 = arith.constant 0 : index
    %get3A_1 = vector.load %arg2[%get3A, %get3A_0] : memref<512x1024xbf16, #tpu.memory_space<vmem>>, vector<512x1024xbf16>
    %get3A_2 = arith.constant 0 : index
    %get3A_3 = arith.constant 0 : index
    %get3A_4 = vector.load %arg3[%get3A_2, %get3A_3] : memref<1024x4096xbf16, #tpu.memory_space<vmem>>, vector<1024x4096xbf16>
    %dot_general3A = arith.constant dense<0.000000e+00> : vector<512x4096xf32>
    %dot_general3A_5 = tpu.matmul %get3A_1, %get3A_4, %dot_general3A {dimension_numbers = #tpu.dot_dimension_numbers<[1], [0], [0], [1], [0, 0, 1, 1], [], []>, transpose_lhs_hint = false} : vector<512x1024xbf16>, vector<1024x4096xbf16>, vector<512x4096xf32> -> vector<512x4096xf32>
    %get3A_6 = arith.constant 0 : index
    %get3A_7 = arith.constant 0 : index
    %get3A_8 = vector.load %arg4[%get3A_6, %get3A_7] : memref<1x4096xf32, #tpu.memory_space<vmem>>, vector<1x4096xf32>
    %add3A = vector.broadcast %get3A_8 : vector<1x4096xf32> to vector<512x4096xf32>
    %add3A_9 = arith.addf %dot_general3A_5, %add3A : vector<512x4096xf32>
    %mul3A = arith.constant 0.707106769 : f32
    %mul3A_10 = vector.broadcast %mul3A : f32 to vector<512x4096xf32>
    %mul3A_11 = arith.mulf %add3A_9, %mul3A_10 : vector<512x4096xf32>
    %erf3A = math.erf %mul3A_11 : vector<512x4096xf32>
    %add3A_12 = arith.constant 1.000000e+00 : f32
    %add3A_13 = vector.broadcast %add3A_12 : f32 to vector<512x4096xf32>
    %add3A_14 = arith.addf %add3A_13, %erf3A : vector<512x4096xf32>
    %mul3A_15 = arith.constant 5.000000e-01 : f32
    %mul3A_16 = vector.broadcast %mul3A_15 : f32 to vector<512x4096xf32>
    %mul3A_17 = arith.mulf %mul3A_16, %add3A_14 : vector<512x4096xf32>
    %mul3A_18 = arith.mulf %add3A_9, %mul3A_17 : vector<512x4096xf32>
    %get3A_19 = arith.constant 0 : index
    %get3A_20 = arith.constant 0 : index
    %get3A_21 = vector.load %arg1[%get3A_19, %get3A_20] : memref<512x1024xf32, #tpu.memory_space<vmem>>, vector<512x1024xf32>
    %convert_element_type3A = arith.truncf %mul3A_18 : vector<512x4096xf32> to vector<512x4096xbf16>
    %get3A_22 = arith.constant 0 : index
    %get3A_23 = arith.constant 0 : index
    %get3A_24 = vector.load %arg5[%get3A_22, %get3A_23] : memref<4096x1024xbf16, #tpu.memory_space<vmem>>, vector<4096x1024xbf16>
    %dot_general3A_25 = arith.constant dense<0.000000e+00> : vector<512x1024xf32>
    %dot_general3A_26 = tpu.matmul %convert_element_type3A, %get3A_24, %dot_general3A_25 {dimension_numbers = #tpu.dot_dimension_numbers<[1], [0], [0], [1], [0, 0, 1, 1], [], []>, transpose_lhs_hint = false} : vector<512x4096xbf16>, vector<4096x1024xbf16>, vector<512x1024xf32> -> vector<512x1024xf32>
    %add3A_27 = arith.addf %get3A_21, %dot_general3A_26 : vector<512x1024xf32>
    %get3A_28 = arith.constant 0 : index
    %get3A_29 = arith.constant 0 : index
    %get3A_30 = vector.load %arg6[%get3A_28, %get3A_29] : memref<1x1024xf32, #tpu.memory_space<vmem>>, vector<1x1024xf32>
    %add3A_31 = vector.broadcast %get3A_30 : vector<1x1024xf32> to vector<512x1024xf32>
    %add3A_32 = arith.addf %add3A_27, %add3A_31 : vector<512x1024xf32>
    %swap3A = arith.constant 0 : index
    %swap3A_33 = arith.constant 0 : index
    %swap3A_34 = vector.load %arg7[%swap3A, %swap3A_33] : memref<512x1024xf32, #tpu.memory_space<vmem>>, vector<512x1024xf32>
    tpu.vector_store %arg7[%swap3A, %swap3A_33], %add3A_32 {strides = array<i32>} : memref<512x1024xf32, #tpu.memory_space<vmem>>, vector<512x1024xf32>,
    return
  }
  func.func @transform_0(%arg0: i32) -> (i32, i32) {
    %c0_i32 = arith.constant 0 : i32
    %c0_i32_0 = arith.constant 0 : i32
    return %arg0, %c0_i32 : i32, i32
  }
  func.func @transform_1(%arg0: i32) -> (i32, i32) {
    %c0_i32 = arith.constant 0 : i32
    %c0_i32_0 = arith.constant 0 : i32
    return %arg0, %c0_i32 : i32, i32
  }
  func.func @transform_2(%arg0: i32) -> (i32, i32) {
    %c0_i32 = arith.constant 0 : i32
    %c0_i32_0 = arith.constant 0 : i32
    %c0_i32_1 = arith.constant 0 : i32
    return %c0_i32, %c0_i32_0 : i32, i32
  }
  func.func @transform_3(%arg0: i32) -> (i32, i32) {
    %c0_i32 = arith.constant 0 : i32
    %c0_i32_0 = arith.constant 0 : i32
    %c0_i32_1 = arith.constant 0 : i32
    return %c0_i32, %c0_i32_0 : i32, i32
  }
  func.func @transform_4(%arg0: i32) -> (i32, i32) {
    %c0_i32 = arith.constant 0 : i32
    %c0_i32_0 = arith.constant 0 : i32
    %c0_i32_1 = arith.constant 0 : i32
    return %c0_i32, %c0_i32_0 : i32, i32
  }
  func.func @transform_5(%arg0: i32) -> (i32, i32) {
    %c0_i32 = arith.constant 0 : i32
    %c0_i32_0 = arith.constant 0 : i32
    %c0_i32_1 = arith.constant 0 : i32
    return %c0_i32, %c0_i32_0 : i32, i32
  }
  func.func @transform_6(%arg0: i32) -> (i32, i32) {
    %c0_i32 = arith.constant 0 : i32
    %c0_i32_0 = arith.constant 0 : i32
    return %arg0, %c0_i32 : i32, i32
  }
}

module attributes {stable_mosaic.version = 14 : i64} {
  func.func @_loss_kernel(%arg0: memref<32x16xf32, #tpu.memory_space<vmem>>, %arg1: memref<32x16xf32, #tpu.memory_space<vmem>>, %arg2: memref<1x1xf32, #tpu.memory_space<vmem>>) attributes {dimension_semantics = [], scalar_prefetch = 0 : i64, scratch_operands = 0 : i64, tpu.core_type = #tpu.core_type<tc>} {
    %get3A = arith.constant 0 : index
    %get3A_0 = arith.constant 0 : index
    %get3A_1 = vector.load %arg0[%get3A, %get3A_0] : memref<32x16xf32, #tpu.memory_space<vmem>>, vector<32x16xf32>
    %reduce_sum3A = arith.constant dense<0.000000e+00> : vector<16xf32>
    %reduce_sum3A_2 = vector.multi_reduction <add>, %get3A_1, %reduce_sum3A [0] : vector<32x16xf32> to vector<16xf32>
    %get3A_3 = arith.constant 0 : index
    %get3A_4 = arith.constant 0 : index
    %get3A_5 = vector.load %arg1[%get3A_3, %get3A_4] : memref<32x16xf32, #tpu.memory_space<vmem>>, vector<32x16xf32>
    %reduce_sum3A_6 = arith.constant dense<0.000000e+00> : vector<16xf32>
    %reduce_sum3A_7 = vector.multi_reduction <add>, %get3A_5, %reduce_sum3A_6 [0] : vector<32x16xf32> to vector<16xf32>
    %reduce_sum3A_8 = vector.shape_cast %reduce_sum3A_2 : vector<16xf32> to vector<1x16xf32>
    %reduce_sum3A_9 = arith.constant dense<0.000000e+00> : vector<1xf32>
    %reduce_sum3A_10 = vector.multi_reduction <add>, %reduce_sum3A_8, %reduce_sum3A_9 [1] : vector<1x16xf32> to vector<1xf32>
    %reduce_sum3A_11 = vector.shape_cast %reduce_sum3A_10 : vector<1xf32> to vector<1x1xf32>
    %reduce_sum3A_12 = vector.extract %reduce_sum3A_11[0, 0] : f32 from vector<1x1xf32>
    %div3A = arith.constant 1.600000e+01 : f32
    %div3A_13 = arith.divf %reduce_sum3A_12, %div3A : f32
    %sub3A = vector.broadcast %div3A_13 : f32 to vector<16xf32>
    %sub3A_14 = arith.subf %reduce_sum3A_2, %sub3A : vector<16xf32>
    %integer_pow3A = arith.mulf %sub3A_14, %sub3A_14 : vector<16xf32>
    %reduce_sum3A_15 = vector.shape_cast %integer_pow3A : vector<16xf32> to vector<1x16xf32>
    %reduce_sum3A_16 = arith.constant dense<0.000000e+00> : vector<1xf32>
    %reduce_sum3A_17 = vector.multi_reduction <add>, %reduce_sum3A_15, %reduce_sum3A_16 [1] : vector<1x16xf32> to vector<1xf32>
    %reduce_sum3A_18 = vector.shape_cast %reduce_sum3A_17 : vector<1xf32> to vector<1x1xf32>
    %reduce_sum3A_19 = vector.extract %reduce_sum3A_18[0, 0] : f32 from vector<1x1xf32>
    %div3A_20 = arith.constant 1.500000e+01 : f32
    %div3A_21 = arith.divf %reduce_sum3A_19, %div3A_20 : f32
    %mul3A = arith.mulf %div3A_13, %div3A_13 : f32
    %add3A = arith.constant 1.000000e-10 : f32
    %add3A_22 = arith.addf %mul3A, %add3A : f32
    %div3A_23 = arith.divf %div3A_21, %add3A_22 : f32
    %reduce_sum3A_24 = vector.shape_cast %reduce_sum3A_7 : vector<16xf32> to vector<1x16xf32>
    %reduce_sum3A_25 = arith.constant dense<0.000000e+00> : vector<1xf32>
    %reduce_sum3A_26 = vector.multi_reduction <add>, %reduce_sum3A_24, %reduce_sum3A_25 [1] : vector<1x16xf32> to vector<1xf32>
    %reduce_sum3A_27 = vector.shape_cast %reduce_sum3A_26 : vector<1xf32> to vector<1x1xf32>
    %reduce_sum3A_28 = vector.extract %reduce_sum3A_27[0, 0] : f32 from vector<1x1xf32>
    %div3A_29 = arith.constant 1.600000e+01 : f32
    %div3A_30 = arith.divf %reduce_sum3A_28, %div3A_29 : f32
    %sub3A_31 = vector.broadcast %div3A_30 : f32 to vector<16xf32>
    %sub3A_32 = arith.subf %reduce_sum3A_7, %sub3A_31 : vector<16xf32>
    %integer_pow3A_33 = arith.mulf %sub3A_32, %sub3A_32 : vector<16xf32>
    %reduce_sum3A_34 = vector.shape_cast %integer_pow3A_33 : vector<16xf32> to vector<1x16xf32>
    %reduce_sum3A_35 = arith.constant dense<0.000000e+00> : vector<1xf32>
    %reduce_sum3A_36 = vector.multi_reduction <add>, %reduce_sum3A_34, %reduce_sum3A_35 [1] : vector<1x16xf32> to vector<1xf32>
    %reduce_sum3A_37 = vector.shape_cast %reduce_sum3A_36 : vector<1xf32> to vector<1x1xf32>
    %reduce_sum3A_38 = vector.extract %reduce_sum3A_37[0, 0] : f32 from vector<1x1xf32>
    %div3A_39 = arith.constant 1.500000e+01 : f32
    %div3A_40 = arith.divf %reduce_sum3A_38, %div3A_39 : f32
    %mul3A_41 = arith.mulf %div3A_30, %div3A_30 : f32
    %add3A_42 = arith.constant 1.000000e-10 : f32
    %add3A_43 = arith.addf %mul3A_41, %add3A_42 : f32
    %div3A_44 = arith.divf %div3A_40, %add3A_43 : f32
    %add3A_45 = arith.addf %div3A_23, %div3A_44 : f32
    %reshape3A = vector.broadcast %add3A_45 : f32 to vector<1x1xf32>
    %swap3A = arith.constant 0 : index
    %swap3A_46 = arith.constant 0 : index
    %swap3A_47 = vector.load %arg2[%swap3A, %swap3A_46] : memref<1x1xf32, #tpu.memory_space<vmem>>, vector<1x1xf32>
    tpu.vector_store %arg2[%swap3A, %swap3A_46], %reshape3A {strides = array<i32>} : memref<1x1xf32, #tpu.memory_space<vmem>>, vector<1x1xf32>,
    return
  }
}

</mosaic_0001>

<sc_bundles>
// kernel: kernel.8.cloned.1.call-start
scs
__scs_entry_jumppad:
0x0: {  	(pc) =	sbr.rel $0x88, $3  }
0x1: {  	(tag) =	ssettag $0x0;
	lr =	simm.s32 $0x1  }
0x2: {  	[smem:$0x3F91] =	sst lr;
	_ =	strace $0xD0000000  }
0x3: {  	_ = 	snop  }
0x4: {  	_ = 	snop  }
0x5: {  	_ = 	snop  }
0x6: {  	_ = 	snop  }
0x7: {  	_ = 	snop  }
__scs_overlays_trampoline_lowered:
0x8: {  	[smem:$0x3FA0] =	sst s0  }
0x9: {  	[smem:$0x3FA1] =	sst s1  }
0xa: {  	[smem:$0x3FA2] =	sst s2  }
0xb: {  	[smem:$0x3FA3] =	sst s3  }
0xc: {  	[smem:$0x3FA4] =	sst s4  }
0xd: {  	[smem:$0x3FA5] =	sst s5  }
0xe: {  	[smem:$0x3FA6] =	sst s6  }
0xf: {  	[smem:$0x3FA7] =	sst s7  }
0x10: {  	[smem:$0x3FA8] =	sst s8  }
0x11: {  	[smem:$0x3FA9] =	sst s9;
	s0 =	simm.s32 @!p0 $0x0  }
0x12: {  	s1 =	sld [smem:$0x3F8F];
	s0 =	simm.s32 @p0 $0x1  }
0x13: {  	[smem:$0x3FAA] =	sst s0;
	s0 =	simm.s32 @!p1 $0x0  }
0x14: {  	s2 =	sld [smem:$0x3F8E];
	s0 =	simm.s32 @p1 $0x1  }
0x15: {  	[smem:$0x3FAB] =	sst s0;
	s0 =	simm.s32 @!p2 $0x0  }
0x16: {  	s3 =	sld [smem:$0x3FDB];
	s0 =	simm.s32 @p2 $0x1  }
0x17: {  	s4 =	simm.s32 $0x1BF5;
	[smem:$0x3FAD] =	sst s0  }
0x18: {  	s0 =	sld [smem:$0x3F90];
	_ =	swait.ge [sflag:s4], $0x0  }
0x19: {  	s7 =	sld [smem:$0x3F91]  }
0x1a: {  	s8 =	sadd.s32 $0xFFFFE003, lr  }
0x1b: {  	s9 =	sadd.s32 $0xFFFFFEF7, lr;
	s5 =	simm.s32 $0xFFFFFFFF;
	p2 =	slt.u32 s8, $0xFFFFF086  }
0x1c: {  	p1 =	slt.u32 s9, $0xF7A;
	s5 =	simm.s32 @!p2 $0x0  }
0x1d: {  	s5 =	simm.s32 @p1 $0x1;
	p0 =	seq.s32 s7, s2  }
0x1e: {  	s7 =	smul.u32 @!p0 $0xF7A, s2;
	p2 =	seq.s32 @!p0 s5, $0x0  }
0x1f: {  	s9 =	smul.u32 $0xF7A, s1;
	s8 =	simm.s32 @!p0 $0x1BF5;
	p2 =	por !p2, p0  }
0x20: {  	[sflag:s8] =	ssyncset.s32 @!p0 $0xFFFFF086;
	s6 =	sadd.s32 @!p0 s3, s7;
	s7 =	simm.s32 @!p0 $0x108  }
0x21: {  	s3 =	sadd.s32 s3, s9;
	s6 =	sadd.s32 @!p0 $0x88, s6;
	s7 =	simm.s32 @p2 $0x1082  }
0x22: {  	[simem:s7], [sflag:s8] =	dma.local @!p0 [hbm:s6], $0xF7A  }
0x23: {  	s9 =	sor.u32 $0xD0000000, s2;
	s6 =	simm.s32 $0x108;
	_ =	swait.ge @!p0 [sflag:s8], $0x0  }
0x24: {  	s3 =	sadd.s32 $0x88, s3;
	s6 =	simm.s32 @!p1 $0x1082;
	[sflag:s4] =	ssyncset.s32 $0xFFFFF086  }
0x25: {  	[simem:s6], [sflag:s4] =	dma.local [hbm:s3], $0xF7A  }
0x26: {  	[smem:$0x3F91] =	sst s1;
	(tag) =	ssettag s2;
	_ =	strace s9  }
0x27: {  	s1 =	sld [smem:$0x3FA1]  }
0x28: {  	s2 =	sld [smem:$0x3FA2]  }
0x29: {  	s4 =	sld [smem:$0x3FA4]  }
0x2a: {  	p0 =	seq.s32 s5, $0x0;
	s5 =	sld [smem:$0x3FA5]  }
0x2b: {  	s6 =	sld [smem:$0x3FA6]  }
0x2c: {  	s7 =	sld [smem:$0x3FA7]  }
0x2d: {  	s3 =	simm.s32 $0x108;
	s8 =	sld [smem:$0x3FA8]  }
0x2e: {  	s3 =	simm.s32 @!p0 $0x1082;
	s9 =	sld [smem:$0x3FA9]  }
0x2f: {  	lr =	sadd.s32 s0, s3;
	s0 =	sld [smem:$0x3FA0]  }
0x30: {  	s3 =	sld [smem:$0x3FA3]  }
0x31: {  	[smem:$0x3FAC] =	sst s10  }
0x32: {  	s10 =	sld [smem:$0x3FAA];
	_ =	sdelay $0x3  }
0x33: {  	p0 =	seq.s32 s10, $0x1;
	s10 =	sld [smem:$0x3FAC];
	_ =	sdelay $0x3  }
0x34: {  	[smem:$0x3FAC] =	sst s10  }
0x35: {  	s10 =	sld [smem:$0x3FAB];
	_ =	sdelay $0x3  }
0x36: {  	p1 =	seq.s32 s10, $0x1;
	s10 =	sld [smem:$0x3FAC];
	_ =	sdelay $0x3  }
0x37: {  	[smem:$0x3FAC] =	sst s10  }
0x38: {  	s10 =	sld [smem:$0x3FAD]  }
0x39: {  	_ = 	snop;
	(pc) =	sbr.ind lr, $3  }
0x3a: {  	_ = 	snop  }
0x3b: {  	_ = 	snop  }
0x3c: {  	p2 =	seq.s32 s10, $0x1;
	s10 =	sld [smem:$0x3FAC]  }
0x3d: {  	_ =	shalt  }
0x3e: {  	_ =	shalt  }
0x3f: {  	_ =	shalt  }
0x40: {  	_ =	shalt  }
0x41: {  	_ =	shalt  }
0x42: {  	_ =	shalt  }
0x43: {  	_ =	shalt  }
0x44: {  	_ =	shalt  }
0x45: {  	_ =	shalt  }
0x46: {  	_ =	shalt  }
0x47: {  	_ =	shalt  }
0x48: {  	_ =	shalt  }
0x49: {  	_ =	shalt  }
0x4a: {  	_ =	shalt  }
0x4b: {  	_ =	shalt  }
0x4c: {  	_ =	shalt  }
0x4d: {  	_ =	shalt  }
0x4e: {  	_ =	shalt  }
0x4f: {  	_ =	shalt  }
0x50: {  	_ =	shalt  }
0x51: {  	_ =	shalt  }
0x52: {  	_ =	shalt  }
0x53: {  	_ =	shalt  }
0x54: {  	_ =	shalt  }
0x55: {  	_ =	shalt  }
0x56: {  	_ =	shalt  }
0x57: {  	_ =	shalt  }
0x58: {  	_ =	shalt  }
0x59: {  	_ =	shalt  }
0x5a: {  	_ =	shalt  }
0x5b: {  	_ =	shalt  }
0x5c: {  	_ =	shalt  }
0x5d: {  	_ =	shalt  }
0x5e: {  	_ =	shalt  }
0x5f: {  	_ =	shalt  }
0x60: {  	_ =	shalt  }
0x61: {  	_ =	shalt  }
0x62: {  	_ =	shalt  }
0x63: {  	_ =	shalt  }
0x64: {  	_ =	shalt  }
0x65: {  	_ =	shalt  }
0x66: {  	_ =	shalt  }
0x67: {  	_ =	shalt  }
0x68: {  	_ =	shalt  }
0x69: {  	_ =	shalt  }
0x6a: {  	_ =	shalt  }
0x6b: {  	_ =	shalt  }
0x6c: {  	_ =	shalt  }
0x6d: {  	_ =	shalt  }
0x6e: {  	_ =	shalt  }
0x6f: {  	_ =	shalt  }
0x70: {  	_ =	shalt  }
0x71: {  	_ =	shalt  }
0x72: {  	_ =	shalt  }
0x73: {  	_ =	shalt  }
0x74: {  	_ =	shalt  }
0x75: {  	_ =	shalt  }
0x76: {  	_ =	shalt  }
0x77: {  	_ =	shalt  }
0x78: {  	_ =	shalt  }
0x79: {  	_ =	shalt  }
0x7a: {  	_ =	shalt  }
0x7b: {  	_ =	shalt  }
0x7c: {  	_ =	shalt  }
0x7d: {  	_ =	shalt  }
0x7e: {  	_ =	shalt  }
0x7f: {  	_ =	shalt  }
0x80: {  	_ =	shalt  }
0x81: {  	_ =	shalt  }
0x82: {  	_ =	shalt  }
0x83: {  	_ =	shalt  }
0x84: {  	_ =	shalt  }
0x85: {  	_ =	shalt  }
0x86: {  	_ =	shalt  }
0x87: {  	_ =	shalt  }
.Lfunc_end0:
.L_simem_size_0:
called_computation_lowered:
.L_overlay_start_0:
0x88: {  	s2 =	sld [smem:$0x3FD9]  }
0x89: {  	s3 =	sld [smem:$0x3FFE];
	_ =	sdelay $0x1  }
0x8a: {  	s1 =	srdreg.scid  }
0x8b: {  	s0 =	sand.u32 $0x1, s1  }
0x8c: {  	s16 =	sshll.u32 s0, $0xA;
	s2 =	sadd.s32 s3, s2  }
0x8d: {  	s2 =	sadd.s32 s2, s16  }
0x8e: {  	[smem:$0x3FB8] =	sst s2  }
0x8f: {  	_ = 	snop  }
0x90: {  	(tm) =	ssettm $0x1  }
0x91: {  	s17 =	sld [smem:$0x3FFB];
	_ =	sdelay $0x3  }
0x92: {  	_ =	strace s17  }
0x93: {  	s2 =	sld [smem:$0x3FFC];
	_ =	sdelay $0x3  }
0x94: {  	_ =	strace s2  }
0x95: {  	s2 =	sld [smem:$0x3FFD];
	_ =	sdelay $0x3  }
0x96: {  	_ =	strace s2  }
0x97: {  	_ =	strace $0x8FFFFFFF  }
0x98: {  	s18 =	sld [smem:$0x3FDB];
	_ =	sdelay $0x1  }
0x99: {  	s19 =	simm.s32 $_scs_section_size  }
0x9a: {  	s4 =	simm.s32 $_size__tile_overlayer_lowered;
	s5 =	simm.s32 $_tile_overlayer_lowered  }
0x9b: {  	s22 =	simm.s32 $0x1BFF;
	s21 =	sshll.u32 s5, $0x1;
	s2 =	sadd.s32 s19, s18  }
0x9c: {  	s6 =	simm.s32 $0x0;
	s20 =	sshll.u32 s4, $0x1;
	s4 =	sadd.s32 s21, s2  }
0x9d: {  	[timem:s6], [sflag:s22] =	dma.local [hbm:s4], s20  }
0x9e: {  	_ =	swait.ge [sflag:s22], s20  }
0x9f: {  	s3 =	ssub.s32 $0x0, s20;
	[sflag:s22] =	ssyncset.done $0x0  }
0xa0: {  	[sflag:s22] =	ssyncadd.s32 s3;
	_ =	sdelay $0x1  }
0xa1: {  	s23 =	simm.s32 $0x1B8B  }
0xa2: {  	_ =	swait.ge [sflag:s23], $0x1  }
0xa3: {  	[sflag:s23] =	ssyncset.done $0x0  }
0xa4: {  	s25 =	simm.s32 $0x1B8E;
	s24 =	sld [smem:$0x3FFE];
	[sflag:s23] =	ssyncadd.s32 $0xFFFFFFFF  }
0xa5: {  	s26 =	simm.s32 $execute0_lowered;
	[smem:$0x3FD2] =	sst s25  }
0xa6: {  	s4 =	sshll.u32 s26, $0x1;
	_ =	strace $0x80000046;
	[dreg:$0x1] =	wrdreg $0xFFFFFFFF  }
0xa7: {  	s28 =	simm.s32 $_size_execute0_lowered;
	s2 =	sadd.s32 s2, s4;
	[dreg:$0x0] =	wrdreg $0x0  }
0xa8: {  	s4 =	sshll.u32 s28, $0x1;
	[dreg:$0x2] =	wrdreg s2  }
0xa9: {  	[dreg:$0x3] =	wrdreg s4  }
0xaa: {  	[dreg:$0x4] =	wrdreg $0xC0  }
0xab: {  	_ =	task [dreg:s6], $0x5FFFF  }
0xac: {  	[dreg:$0x1] =	wrdreg $0xFFFFFFFF  }
0xad: {  	[dreg:$0x0] =	wrdreg $0x60  }
0xae: {  	[dreg:$0x2] =	wrdreg s24  }
0xaf: {  	[dreg:$0x3] =	wrdreg $0x9  }
0xb0: {  	_ =	task.clear_ibuf [dreg:s6], $0x4FFFF;
	_ =	strace $0x90000046  }
0xb1: {  	s29 =	simm.s32 $0x9;
	_ =	strace $0x80000048  }
0xb2: {  	_ =	swait.ge [sflag:s29], $0x1  }
0xb3: {  	[sflag:s29] =	ssyncadd.s32 $0xFFFFFFFF  }
0xb4: {  	_ =	strace $0x90000048  }
0xb5: {  	_ =	sfence  }
0xb6: {  	s30 =	sld [smem:$0x0];
	_ =	sdelay $0x2  }
0xb7: {  	s31 =	sshll.u32 s1, $0xD;
	s1 =	sshrl.u32 s1, $0x2  }
0xb8: {  	s3 =	sand.u32 $0x4000, s31;
	s1 =	sadd.s32 s1, s30  }
0xb9: {  	s0 =	sor.u32 s3, s0;
	s1 =	sshll.u32 s1, $0x11  }
0xba: {  	s0 =	sor.u32 s1, s0  }
0xbb: {  	s0 =	sadd.s32 $0x8F2B, s0  }
0xbc: {  	[sflag:s0] =	ssyncadd.remote.s32 $0x1  }
0xbd: {  	_ =	sfence.sel $0xFFFF  }
0xbe: {  	[dreg:$0x0] =	wrdreg $0xFFFFFFFF;
	(pc) =	sbr.abs _section_cstart, $3  }
0xbf: {  	[dreg:$0x1] =	wrdreg $0xFFFFFFFF  }
0xc0: {  	_ =	task.clear_ibuf [dreg:s6], $0x2FFFF;
	_ =	strace $0x9FFFFFFF  }
0xc1: {  	(tm) =	ssettm $0x7FFFFFFF  }
tec
execute0_lowered:
.L_overlay_start_1:
0x0: {  	(tag) =	ssettag $0x1  }
0x1: {  	v0 =	vimm.s32 $0xFEDCBA98;
	v1 =	vimm.s32 $0x76543210  }
0x2: {  	v2 =	vimm.s32 $0xBA98FEDC;
	v3 =	vimm.s32 $0x32107654;
	v4 =	vimm.s32 $0xDCFE98BA  }
0x3: {  	s3 =	rddreg [dreg:$0x0];
	s4 =	srdreg.scid;
	v5 =	vimm.s32 $0x54761032;
	v6 =	vimm.s32 $0xEFCDAB89;
	v7 =	vimm.s32 $0x67452301  }
0x4: {  	s0 =	simm.s32 $0x0;
	s1 =	stileid.u32;
	s2 =	rddreg [dreg:$0x1];
	v0 =	vunpack.c.l.s4.s8 v0;
	v1 =	vunpack.c.l.s4.s8 v1;
	v2 =	vunpack.c.l.s4.s8 v2  }
0x5: {  	s10 =	simm.s32 $0x800;
	s11 =	simm.s32 $0x1000;
	s12 =	simm.s32 $0x1800;
	v3 =	vunpack.c.l.s4.s8 v3;
	v4 =	vunpack.c.l.s4.s8 v4;
	v5 =	vunpack.c.l.s4.s8 v5  }
0x6: {  	s13 =	simm.s32 $0x1880;
	s4 =	sand.u32 $0x1, s4;
	s5 =	sshll.u32 s1, $0x1;
	v6 =	vunpack.c.l.s4.s8 v6;
	v7 =	vunpack.c.l.s4.s8 v7;
	v0 =	vunpack.c.0.s8.s32 v0  }
0x7: {  	s14 =	simm.s32 $0x0;
	[smem:$0x7FF] =	sst s0;
	s5 =	sor.u32 s4, s5;
	v2 =	vunpack.c.0.s8.s32 v2;
	v3 =	vunpack.c.0.s8.s32 v3;
	v4 =	vunpack.c.0.s8.s32 v4  }
0x8: {  	_ =	strace $0x80000047;
	s4 =	ssub.s32 $0x2, s4;
	s6 =	sshll.u32 s5, $0x8;
	v5 =	vunpack.c.0.s8.s32 v5;
	v6 =	vunpack.c.0.s8.s32 v6;
	v7 =	vunpack.c.0.s8.s32 v7  }
0x9: {  	s5 =	sshll.u32 s5, $0x1;
	s7 =	sshrl.u32 s4, $0x1;
	v1 =	vunpack.c.0.s8.s32 v1;
	s6 =	sadd.s32 s6, s3;
	v2 =	vcombine.low v3, v2  }
0xa: {  	s8 =	sadd.s32 s5, s3;
	s9 =	ssub.s32 s4, s7;
	s3 =	sadd.s32 $0x82800, s6;
	v3 =	vcombine.low v5, v4;
	v4 =	vcombine.low v7, v6;
	v0 =	vand.u32 $0xF, v0  }
0xb: {  	s4 =	sadd.s32 $0x84800, s6;
	s5 =	sadd.s32 $0x86800, s6;
	s6 =	sadd.s32 $0x88800, s8;
	v0 =	vcombine.low v0, v1;
	v1 =	vand.u32 $0xF, v2  }
0xc: {  	s7 =	sadd.s32 $0x88A00, s8;
	s8 =	smax.u32 s9, $0x1;
	s9 =	simm.s32 $0x1;
	v2 =	vand.u32 $0xF, v3;
	v3 =	vand.u32 $0xF, v4;
	v4 =	vlaneseq.u32  }
.LBB2_1:
0xd: {  	[tilespmem:s0], [sflag:$0x1] =	stream.linear.gather [hbm4b:s3+s0], $0x800, $0x38;
	[tilespmem:$0x1900] =	vst v63  }
0xe: {  	_ =	swait.ge [sflag:s9], $0x800  }
0xf: {  	[sflag:s9] =	ssyncset.done $0x0  }
0x10: {  	[sflag:s9] =	ssyncadd.s32 $0xFFFFF800  }
0x11: {  	[tilespmem:s10], [sflag:$0x1] =	stream.linear.gather [hbm4b:s4+s0], $0x800, $0x38;
	[tilespmem:$0x1900] =	vst v63  }
0x12: {  	_ =	swait.ge [sflag:s9], $0x800  }
0x13: {  	[sflag:s9] =	ssyncset.done $0x0  }
0x14: {  	[sflag:s9] =	ssyncadd.s32 $0xFFFFF800  }
0x15: {  	[tilespmem:s11], [sflag:$0x1] =	stream.linear.gather [hbm4b:s5+s0], $0x800, $0x38;
	[tilespmem:$0x1900] =	vst v63  }
0x16: {  	_ =	swait.ge [sflag:s9], $0x800  }
0x17: {  	[sflag:s9] =	ssyncset.done $0x0  }
0x18: {  	s16 =	simm.s32 $0x0;
	[sflag:s9] =	ssyncadd.s32 $0xFFFFF800  }
0x19: {  	v7 =	vld [tilespmem:s16+$0x0];
	_ =	sdelay $0x4  }
0x1a: {  	v5 =	vperm.xlane v7, v0;
	_ =	sdelay $0x1  }
0x1b: {  	v5 =	vmax.f32 v7, v5  }
0x1c: {  	v6 =	vperm.xlane v5, v1;
	_ =	sdelay $0x1  }
0x1d: {  	v5 =	vmax.f32 v5, v6  }
0x1e: {  	v6 =	vperm.xlane v5, v2;
	_ =	sdelay $0x1  }
0x1f: {  	v5 =	vmax.f32 v5, v6  }
0x20: {  	v6 =	vperm.xlane v5, v3;
	_ =	sdelay $0x1  }
0x21: {  	v5 =	vmax.f32 v5, v6  }
0x22: {  	vm0 =	veq.f32 v7, v5  }
0x23: {  	v6 =	vnsel vm0, $0x10, v4  }
0x24: {  	v8 =	vperm.xlane v6, v0;
	_ =	sdelay $0x1  }
0x25: {  	vm0 =	vlt.s32 v6, v8  }
0x26: {  	v6 =	vsel vm0, v6, v8  }
0x27: {  	v8 =	vperm.xlane v6, v1;
	_ =	sdelay $0x1  }
0x28: {  	vm0 =	vlt.s32 v6, v8  }
0x29: {  	v6 =	vsel vm0, v6, v8  }
0x2a: {  	v8 =	vperm.xlane v6, v2;
	_ =	sdelay $0x1  }
0x2b: {  	vm0 =	vlt.s32 v6, v8  }
0x2c: {  	s15 =	simm.s32 $0x10;
	v8 =	vsel vm0, v6, v8  }
0x2d: {  	v6 =	vld [tilespmem:s15+$0x0];
	v9 =	vperm.xlane v8, v3;
	_ =	sdelay $0x1  }
0x2e: {  	vm0 =	vlt.s32 v8, v9  }
0x2f: {  	v8 =	vsel vm0, v8, v9  }
0x30: {  	vm0 =	veq.s32 v8, v4  }
0x31: {  	v8 =	vld [tilespmem:s16+$0x1000];
	v9 =	vperm.xlane v6, v0;
	v10 =	vsel vm0, $0xF149F2CA, v7  }
0x32: {  	v11 =	vperm.xlane v10, v0  }
0x33: {  	v9 =	vmax.f32 v6, v9  }
0x34: {  	v12 =	vperm.xlane v9, v1;
	v11 =	vmax.f32 v10, v11  }
0x35: {  	v13 =	vperm.xlane v11, v1  }
0x36: {  	(erf) = vrcp.f32 v8;
	v8 =	vmax.f32 v9, v12  }
0x37: {  	v9 =	vmax.f32 v11, v13;
	v11 =	vperm.xlane v8, v2  }
0x38: {  	v12 =	vperm.xlane v9, v2  }
0x39: {  	v13 =	vld [tilespmem:s16+$0x800];
	v8 =	vmax.f32 v8, v11  }
0x3a: {  	v9 =	vmax.f32 v9, v12;
	v11 =	vperm.xlane v8, v3  }
0x3b: {  	v12 =	vperm.xlane v9, v3  }
0x3c: {  	v14 =	vmax.f32 v8, v11  }
0x3d: {  	v8 =	vmax.f32 v9, v12;
	vm1 =	veq.f32 v6, v14  }
0x3e: {  	v9 =	vsub.f32 v13, v8;
	v11 =	vnsel vm1, $0x10, v4;
	vm1 =	veq.f32 v10, v8  }
0x3f: {  	v15 =	vld [tilespmem:s15+$0x1000];
	v12 =	vpop (erf);
	v16 =	vperm.xlane v11, v0;
	v17 =	vnsel vm1, $0x10, v4  }
0x40: {  	v9 =	vmul.f32 v9, v12;
	v18 =	vperm.xlane v17, v0  }
0x41: {  	v5 =	vsub.f32 v8, v5;
	vm1 =	vlt.s32 v11, v16  }
0x42: {  	v19 =	vmul.f32 $7.071067690e-01, v9;
	v8 =	vsel vm1, v11, v16;
	vm1 =	vlt.s32 v17, v18  }
0x43: {  	v5 =	vmul.f32 $1.442695020e+00, v5;
	v9 =	vperm.xlane v8, v1;
	v11 =	vsel vm1, v17, v18  }
0x44: {  	(erf) = vrcp.f32 v15;
	v15 =	vand.u32 $0x7FFFFFFF, v19;
	v16 =	vperm.xlane v11, v1  }
0x45: {  	(erf) = vpow2.f32 v5;
	v5 =	vmul.f32 $3.275910910e-01, v15;
	vm1 =	vlt.s32 v8, v9  }
0x46: {  	v8 =	vsel vm1, v8, v9;
	vm1 =	vlt.s32 v11, v16  }
0x47: {  	v5 =	vadd.f32 $1.000000000e+00, v5;
	v9 =	vperm.xlane v8, v2;
	v11 =	vsel vm1, v11, v16  }
0x48: {  	v16 =	vperm.xlane v11, v2  }
0x49: {  	(erf) = vrcp.f32 v5;
	vm1 =	vlt.s32 v8, v9  }
0x4a: {  	v5 =	vsel vm1, v8, v9;
	vm1 =	vlt.s32 v11, v16  }
0x4b: {  	v8 =	vperm.xlane v5, v3;
	v11 =	vsel vm1, v11, v16  }
0x4c: {  	v16 =	vperm.xlane v11, v3  }
0x4d: {  	v9 =	vpop (erf);
	vm1 =	vlt.s32 v5, v8  }
0x4e: {  	v17 =	vpop (erf);
	v5 =	vsel vm1, v5, v8;
	vm1 =	vlt.s32 v11, v16  }
0x4f: {  	v8 =	vadd.f32 $1.000000000e+00, v17;
	v11 =	vsel vm1, v11, v16;
	vm1 =	veq.s32 v5, v4  }
0x50: {  	v5 =	vsub.f32 $0.0e+00, v15;
	vm3 =	veq.s32 v11, v4;
	v16 =	vsel vm1, $0xF149F2CA, v6  }
0x51: {  	(erf) = vrcp.f32 v8;
	v10 =	vsel vm3, $0xF149F2CA, v10;
	v8 =	vperm.xlane v16, v0  }
0x52: {  	s30 =	simm.s32 $0x20;
	v5 =	vmul.f32 v5, v15;
	v15 =	vpop (erf);
	v11 =	vperm.xlane v10, v0  }
0x53: {  	v17 =	vmul.f32 $1.061405420e+00, v15;
	v18 =	vmax.f32 v16, v8;
	v8 =	vld [tilespmem:s30+$0x0]  }
0x54: {  	v10 =	vmax.f32 v10, v11;
	v11 =	vperm.xlane v18, v1  }
0x55: {  	v17 =	vadd.f32 $-1.453152060e+00, v17;
	v20 =	vperm.xlane v10, v1  }
0x56: {  	v5 =	vmul.f32 $1.442695020e+00, v5;
	v18 =	vmax.f32 v18, v11  }
0x57: {  	v17 =	vmul.f32 v17, v15;
	v10 =	vmax.f32 v10, v20;
	v20 =	vperm.xlane v18, v2  }
0x58: {  	vm2 =	vge.f32 v19, $0.0e+00;
	v21 =	vperm.xlane v10, v2;
	v22 =	vperm.xlane v8, v0  }
0x59: {  	(erf) = vpow2.f32 v5;
	v11 =	vld [tilespmem:s15+$0x800];
	v17 =	vadd.f32 $1.421413780e+00, v17;
	v18 =	vmax.f32 v18, v20  }
0x5a: {  	v20 =	vld [tilespmem:s30+$0x1000];
	v10 =	vmax.f32 v10, v21;
	v21 =	vperm.xlane v18, v3;
	v22 =	vmax.f32 v8, v22  }
0x5b: {  	v5 =	vimm.f32 $0.0e+00;
	v19 =	vpop (erf);
	v24 =	vperm.xlane v10, v3;
	v25 =	vperm.xlane v22, v1  }
0x5c: {  	v23 =	vnsel vm0, $0x0, v19;
	v17 =	vmul.f32 v17, v15;
	v18 =	vmax.f32 v18, v21  }
0x5d: {  	v14 =	vsub.f32 v18, v14;
	v21 =	vmax.f32 v10, v24;
	v10 =	vmax.f32 v22, v25  }
0x5e: {  	v22 =	vsub.f32 v11, v18;
	v13 =	vsub.f32 v13, v21;
	v24 =	vperm.xlane v10, v2  }
0x5f: {  	v19 =	vsub.f32 $1.000000000e+00, v19;
	(erf) = vrcp.f32 v20;
	v14 =	vmul.f32 $1.442695020e+00, v14  }
0x60: {  	v23 =	vadd.f32 v23, v5;
	v20 =	vmul.f32 v22, v9;
	v12 =	vmul.f32 v13, v12  }
0x61: {  	v10 =	vmax.f32 v10, v24;
	v13 =	vadd.f32 $-2.844967250e-01, v17;
	(erf) = vpow2.f32 v14  }
0x62: {  	v17 =	vnsel vm3, $0x0, v19;
	v14 =	vperm.xlane v10, v3;
	v19 =	vmul.f32 $7.071067690e-01, v20  }
0x63: {  	vm5 =	vmmov vm2;
	v17 =	vadd.f32 v17, v23;
	v12 =	vmul.f32 $7.071067690e-01, v12  }
0x64: {  	v13 =	vmul.f32 v13, v15;
	v20 =	vmax.f32 v10, v14;
	v22 =	vand.u32 $0x7FFFFFFF, v19  }
0x65: {  	vm4 =	vge.f32 v19, $0.0e+00;
	v14 =	vand.u32 $0x7FFFFFFF, v12;
	vm0 =	veq.f32 v8, v20  }
0x66: {  	v10 =	vmul.f32 $3.275910910e-01, v14;
	v23 =	vnsel vm0, $0x10, v4;
	vm0 =	veq.f32 v16, v18  }
0x67: {  	v13 =	vadd.f32 $2.548295860e-01, v13;
	v24 =	vperm.xlane v23, v0;
	v25 =	vnsel vm0, $0x10, v4  }
0x68: {  	v30 =	vsub.f32 $0.0e+00, v22;
	v18 =	vmul.f32 $3.275910910e-01, v22;
	v27 =	vperm.xlane v25, v0  }
0x69: {  	v28 =	vpop (erf);
	v29 =	vsub.f32 $0.0e+00, v14;
	v26 =	vadd.f32 $1.000000000e+00, v10;
	vm0 =	vlt.s32 v23, v24  }
0x6a: {  	v18 =	vadd.f32 $1.000000000e+00, v18;
	v10 =	vpop (erf);
	v23 =	vsel vm0, v23, v24;
	vm0 =	vlt.s32 v25, v27  }
0x6b: {  	(erf) = vrcp.f32 v26;
	v24 =	vpop (erf);
	v26 =	vperm.xlane v23, v1;
	v25 =	vsel vm0, v25, v27  }
0x6c: {  	(erf) = vrcp.f32 v18;
	v18 =	vadd.f32 $1.000000000e+00, v24;
	v24 =	vperm.xlane v25, v1  }
0x6d: {  	v22 =	vmul.f32 v30, v22;
	v14 =	vmul.f32 v29, v14;
	vm0 =	vlt.s32 v23, v26  }
0x6e: {  	(erf) = vrcp.f32 v18;
	v18 =	vsel vm0, v23, v26;
	vm0 =	vlt.s32 v25, v24  }
0x6f: {  	v14 =	vmul.f32 $1.442695020e+00, v14;
	v23 =	vperm.xlane v18, v2;
	v24 =	vsel vm0, v25, v24  }
0x70: {  	vm0 =	vgt.f32 v7, v21;
	v7 =	vmul.f32 $1.442695020e+00, v22;
	v21 =	vperm.xlane v24, v2  }
0x71: {  	v13 =	vmul.f32 v13, v15;
	(erf) = vpow2.f32 v14;
	vm3 =	vlt.s32 v18, v23  }
0x72: {  	(erf) = vpow2.f32 v7;
	v7 =	vsel vm3, v18, v23;
	vm3 =	vlt.s32 v24, v21  }
0x73: {  	vm2 =	vmmov vm0;
	v14 =	vperm.xlane v7, v3;
	v15 =	vsel vm3, v24, v21  }
0x74: {  	v13 =	vmul.f32 v13, v28;
	vm7 =	vmmov vm2;
	v18 =	vpop (erf);
	v21 =	vperm.xlane v15, v3  }
0x75: {  	vm3 =	vge.f32 v12, $0.0e+00;
	v22 =	vpop (erf);
	v12 =	vmul.f32 $1.061405420e+00, v18;
	vm0 =	vlt.s32 v7, v14  }
0x76: {  	v23 =	vmul.f32 $1.061405420e+00, v22;
	v7 =	vsel vm0, v7, v14;
	vm0 =	vlt.s32 v15, v21  }
0x77: {  	v14 =	vsub.f32 $1.000000000e+00, v13;
	v13 =	vsel vm0, v15, v21;
	vm0 =	veq.s32 v7, v4  }
0x78: {  	v12 =	vadd.f32 $-1.453152060e+00, v12;
	vm6 =	veq.s32 v13, v4;
	v13 =	vsel vm0, $0xF149F2CA, v8  }
0x79: {  	v23 =	vadd.f32 $-1.453152060e+00, v23;
	v7 =	vpop (erf);
	v15 =	vsel vm6, $0xF149F2CA, v16;
	v16 =	vperm.xlane v13, v0  }
0x7a: {  	v19 =	vnsel vm1, $0x0, v7;
	v7 =	vsub.f32 $1.000000000e+00, v7;
	v21 =	vperm.xlane v15, v0  }
0x7b: {  	s31 =	simm.s32 $0x30;
	v12 =	vmul.f32 v12, v18;
	v17 =	vadd.f32 v19, v17;
	v16 =	vmax.f32 v13, v16  }
0x7c: {  	v19 =	vnsel vm6, $0x0, v7;
	v15 =	vmax.f32 v15, v21;
	v7 =	vld [tilespmem:s31+$0x0];
	v21 =	vperm.xlane v16, v1  }
0x7d: {  	v24 =	vsub.f32 $0.0e+00, v14;
	v17 =	vadd.f32 v19, v17;
	v19 =	vperm.xlane v15, v1  }
0x7e: {  	v23 =	vmul.f32 v23, v22;
	v12 =	vadd.f32 $1.421413780e+00, v12;
	v16 =	vmax.f32 v16, v21  }
0x7f: {  	v14 =	vsel vm5, v14, v24;
	v21 =	vld [tilespmem:s31+$0x1000];
	v15 =	vmax.f32 v15, v19;
	v19 =	vperm.xlane v16, v2  }
0x80: {  	v23 =	vadd.f32 $1.421413780e+00, v23;
	v25 =	vmul.f32 v12, v18;
	v24 =	vperm.xlane v15, v2  }
0x81: {  	vm6 =	vmmov vm4;
	v26 =	vperm.xlane v7, v0;
	v16 =	vmax.f32 v16, v19  }
0x82: {  	v12 =	vld [tilespmem:s30+$0x800];
	v19 =	vmul.f32 v23, v22;
	v15 =	vmax.f32 v15, v24;
	v23 =	vperm.xlane v16, v3  }
0x83: {  	v24 =	vadd.f32 $-2.844967250e-01, v25;
	v25 =	vmax.f32 v7, v26;
	v26 =	vperm.xlane v15, v3  }
0x84: {  	(erf) = vrcp.f32 v21;
	v21 =	vperm.xlane v25, v1;
	v16 =	vmax.f32 v16, v23  }
0x85: {  	v19 =	vadd.f32 $-2.844967250e-01, v19;
	v20 =	vsub.f32 v16, v20;
	v15 =	vmax.f32 v15, v26  }
0x86: {  	v23 =	vmul.f32 v24, v18;
	v21 =	vmax.f32 v25, v21;
	v11 =	vsub.f32 v11, v15  }
0x87: {  	v24 =	vsub.f32 v12, v16;
	v25 =	vperm.xlane v21, v2;
	v20 =	vmul.f32 $1.442695020e+00, v20  }
0x88: {  	v19 =	vmul.f32 v19, v22;
	v23 =	vadd.f32 $2.548295860e-01, v23;
	v9 =	vmul.f32 v11, v9  }
0x89: {  	v11 =	vmul.f32 v24, v10;
	v21 =	vmax.f32 v21, v25;
	(erf) = vpow2.f32 v20  }
0x8a: {  	v19 =	vadd.f32 $2.548295860e-01, v19;
	v20 =	vperm.xlane v21, v3;
	v24 =	vmul.f32 $7.071067690e-01, v9  }
0x8b: {  	vm1 =	vgt.f32 v6, v15;
	v6 =	vmul.f32 v23, v18;
	v11 =	vmul.f32 $7.071067690e-01, v11  }
0x8c: {  	v15 =	vmul.f32 v19, v22;
	v18 =	vmax.f32 v21, v20;
	v19 =	vand.u32 $0x7FFFFFFF, v24  }
0x8d: {  	v20 =	vand.u32 $0x7FFFFFFF, v11;
	v21 =	vpop (erf);
	vm5 =	veq.f32 v7, v18;
	v9 =	vmul.f32 $3.275910910e-01, v19  }
0x8e: {  	v6 =	vmul.f32 v6, v21;
	v22 =	vnsel vm5, $0x10, v4;
	vm5 =	veq.f32 v13, v16  }
0x8f: {  	v16 =	vmul.f32 $3.275910910e-01, v20;
	v21 =	vperm.xlane v22, v0;
	v23 =	vnsel vm5, $0x10, v4  }
0x90: {  	v28 =	vsub.f32 $0.0e+00, v19;
	v25 =	vadd.f32 $1.000000000e+00, v9;
	v26 =	vperm.xlane v23, v0  }
0x91: {  	v27 =	vpop (erf);
	v29 =	vsub.f32 $0.0e+00, v20;
	v16 =	vadd.f32 $1.000000000e+00, v16;
	vm5 =	vlt.s32 v22, v21  }
0x92: {  	v9 =	vpop (erf);
	(erf) = vrcp.f32 v25;
	v21 =	vsel vm5, v22, v21;
	vm5 =	vlt.s32 v23, v26  }
0x93: {  	v22 =	vpop (erf);
	(erf) = vrcp.f32 v16;
	v16 =	vperm.xlane v21, v1;
	v23 =	vsel vm5, v23, v26  }
0x94: {  	v15 =	vmul.f32 v15, v27;
	v22 =	vadd.f32 $1.000000000e+00, v22;
	v25 =	vperm.xlane v23, v1  }
0x95: {  	v19 =	vmul.f32 v28, v19;
	v20 =	vmul.f32 v29, v20;
	vm5 =	vlt.s32 v21, v16  }
0x96: {  	(erf) = vrcp.f32 v22;
	v16 =	vsel vm5, v21, v16;
	vm5 =	vlt.s32 v23, v25  }
0x97: {  	v20 =	vmul.f32 $1.442695020e+00, v20;
	v21 =	vperm.xlane v16, v2;
	v22 =	vsel vm5, v23, v25  }
0x98: {  	vm4 =	vge.f32 v24, $0.0e+00;
	v19 =	vmul.f32 $1.442695020e+00, v19;
	v23 =	vperm.xlane v22, v2  }
0x99: {  	v6 =	vsub.f32 $1.000000000e+00, v6;
	vm5 =	vmmov vm3;
	vm3 =	vlt.s32 v16, v21  }
0x9a: {  	v27 =	vsub.f32 $1.000000000e+00, v15;
	(erf) = vpow2.f32 v19;
	v16 =	vsel vm3, v16, v21  }
0x9b: {  	(erf) = vpow2.f32 v20;
	vm2 =	vlt.s32 v22, v23;
	v20 =	vpop (erf);
	v21 =	vperm.xlane v16, v3  }
0x9c: {  	v19 =	vsub.f32 $0.0e+00, v6;
	v22 =	vsel vm2, v22, v23;
	v24 =	vmul.f32 $1.061405420e+00, v20;
	v23 =	vpop (erf)  }
0x9d: {  	v25 =	vperm.xlane v22, v3;
	v26 =	vmul.f32 $1.061405420e+00, v23;
	vm2 =	vlt.s32 v16, v21  }
0x9e: {  	v19 =	vsel vm5, v6, v19;
	vm3 =	vge.f32 v11, $0.0e+00;
	v11 =	vsel vm2, v16, v21  }
0x9f: {  	vm2 =	vlt.s32 v22, v25;
	v21 =	vadd.f32 $-1.453152060e+00, v24;
	v15 =	vpop (erf);
	v24 =	vadd.f32 $-1.453152060e+00, v26  }
0xa0: {  	v16 =	vsel vm2, v22, v25;
	v22 =	vnsel vm0, $0x0, v15;
	v25 =	vsub.f32 $1.000000000e+00, v15  }
0xa1: {  	vm2 =	veq.s32 v11, v4;
	vm0 =	veq.s32 v16, v4;
	v11 =	vadd.f32 v22, v17  }
0xa2: {  	s17 =	simm.s32 $0x40;
	v15 =	vsel vm2, $0xF149F2CA, v7;
	v21 =	vmul.f32 v21, v20;
	v13 =	vsel vm0, $0xF149F2CA, v13  }
0xa3: {  	v6 =	vld [tilespmem:s17+$0x0];
	v16 =	vnsel vm0, $0x0, v25;
	v17 =	vperm.xlane v15, v0;
	v22 =	vperm.xlane v13, v0  }
0xa4: {  	v16 =	vadd.f32 v16, v11;
	v11 =	vmul.f32 v24, v23;
	v24 =	vsub.f32 $0.0e+00, v27  }
0xa5: {  	v26 =	vld [tilespmem:s17+$0x1000];
	v21 =	vadd.f32 $1.421413780e+00, v21;
	v17 =	vmax.f32 v15, v17;
	v13 =	vmax.f32 v13, v22  }
0xa6: {  	v14 =	vsel vm7, v19, v14;
	v22 =	vperm.xlane v17, v1;
	v25 =	vperm.xlane v13, v1  }
0xa7: {  	v28 =	vadd.f32 $1.421413780e+00, v11;
	v11 =	vsel vm6, v27, v24;
	v21 =	vmul.f32 v21, v20  }
0xa8: {  	v27 =	vperm.xlane v6, v0;
	v17 =	vmax.f32 v17, v22;
	v19 =	vmax.f32 v13, v25  }
0xa9: {  	v22 =	vperm.xlane v17, v2;
	v24 =	vperm.xlane v19, v2  }
0xaa: {  	(erf) = vrcp.f32 v26;
	v25 =	vmul.f32 v28, v23  }
0xab: {  	v21 =	vadd.f32 $-2.844967250e-01, v21;
	v13 =	vld [tilespmem:s31+$0x800];
	v17 =	vmax.f32 v17, v22;
	v19 =	vmax.f32 v19, v24  }
0xac: {  	v22 =	vperm.xlane v17, v3;
	v24 =	vadd.f32 $-2.844967250e-01, v25;
	v25 =	vmax.f32 v6, v27  }
0xad: {  	vm1 =	vmmov vm1;
	v26 =	vperm.xlane v19, v3;
	v27 =	vperm.xlane v25, v1  }
0xae: {  	v21 =	vmul.f32 v21, v20;
	v22 =	vmax.f32 v17, v22;
	v17 =	vmul.f32 v24, v23  }
0xaf: {  	v18 =	vsub.f32 v22, v18;
	v19 =	vmax.f32 v19, v26;
	v25 =	vmax.f32 v25, v27  }
0xb0: {  	v24 =	vsub.f32 v13, v22;
	v12 =	vsub.f32 v12, v19;
	v26 =	vperm.xlane v25, v2  }
0xb1: {  	v21 =	vadd.f32 $2.548295860e-01, v21;
	v17 =	vadd.f32 $2.548295860e-01, v17;
	v18 =	vmul.f32 $1.442695020e+00, v18  }
0xb2: {  	v24 =	vmul.f32 v24, v9;
	v10 =	vmul.f32 v12, v10;
	v12 =	vmax.f32 v25, v26  }
0xb3: {  	vm0 =	vgt.f32 v8, v19;
	(erf) = vpow2.f32 v18;
	v8 =	vperm.xlane v12, v3  }
0xb4: {  	vm4 =	vmmov vm4;
	v18 =	vmul.f32 $7.071067690e-01, v24;
	v19 =	vmul.f32 $7.071067690e-01, v10  }
0xb5: {  	v14 =	vadd.f32 $1.000000000e+00, v14;
	v20 =	vmul.f32 v21, v20;
	v21 =	vmul.f32 v17, v23  }
0xb6: {  	v17 =	vmax.f32 v12, v8;
	v24 =	vand.u32 $0x7FFFFFFF, v18;
	v10 =	vpop (erf);
	v23 =	vand.u32 $0x7FFFFFFF, v19  }
0xb7: {  	vm5 =	veq.f32 v6, v17;
	v10 =	vmul.f32 v20, v10;
	v8 =	vmul.f32 $3.275910910e-01, v23  }
0xb8: {  	v20 =	vnsel vm5, $0x10, v4;
	vm5 =	veq.f32 v15, v22;
	v22 =	vmul.f32 $3.275910910e-01, v24  }
0xb9: {  	v25 =	vperm.xlane v20, v0;
	v26 =	vnsel vm5, $0x10, v4;
	v27 =	vadd.f32 $1.000000000e+00, v8  }
0xba: {  	v63 =	vsub.f32 $0.0e+00, v24;
	v12 =	vpop (erf);
	v28 =	vperm.xlane v26, v0;
	v22 =	vadd.f32 $1.000000000e+00, v22  }
0xbb: {  	v29 =	vsub.f32 $0.0e+00, v23;
	vm5 =	vlt.s32 v20, v25;
	v8 =	vpop (erf);
	(erf) = vrcp.f32 v27  }
0xbc: {  	v25 =	vsel vm5, v20, v25;
	vm5 =	vlt.s32 v26, v28;
	v20 =	vpop (erf);
	(erf) = vrcp.f32 v22  }
0xbd: {  	v22 =	vperm.xlane v25, v1;
	v26 =	vsel vm5, v26, v28;
	v27 =	vadd.f32 $1.000000000e+00, v20  }
0xbe: {  	v23 =	vmul.f32 v29, v23;
	v28 =	vperm.xlane v26, v1;
	v20 =	vsub.f32 $1.000000000e+00, v10  }
0xbf: {  	v10 =	vmul.f32 v63, v24;
	vm5 =	vlt.s32 v25, v22;
	(erf) = vrcp.f32 v27  }
0xc0: {  	v24 =	vsel vm5, v25, v22;
	vm5 =	vlt.s32 v26, v28;
	v22 =	vmul.f32 $1.442695020e+00, v23  }
0xc1: {  	v27 =	vmul.f32 $1.442695020e+00, v10;
	v25 =	vperm.xlane v24, v2;
	v23 =	vsel vm5, v26, v28  }
0xc2: {  	s16 =	simm.s32 $0x140;
	s15 =	simm.s32 $0x180;
	v10 =	vld [tilespmem:s17+$0x800];
	s17 =	simm.s32 $0x1C0;
	v26 =	vperm.xlane v23, v2;
	(erf) = vpow2.f32 v22;
	v22 =	vsub.f32 $0.0e+00, v20  }
.LBB2_2:
0xc3: {  	vm5 =	vlt.s32 v24, v25;
	(erf) = vpow2.f32 v27;
	v12 =	vmul.f32 v21, v12  }
0xc4: {  	p0 =	sne.s32 s17, $0x1FC0;
	vm6 =	vmmov vm3;
	vm7 =	vmmov vm1;
	vm1 =	vmmov vm0  }
0xc5: {  	v21 =	vsel vm5, v24, v25;
	vm0 =	vlt.s32 v23, v26;
	vm5 =	vge.f32 v19, $0.0e+00;
	v19 =	vpop (erf)  }
0xc6: {  	v30 =	vperm.xlane v21, v3;
	v23 =	vsel vm0, v23, v26;
	v25 =	vpop (erf);
	v26 =	vmul.f32 $1.061405420e+00, v19  }
0xc7: {  	v29 =	vsub.f32 $1.000000000e+00, v12;
	v27 =	vperm.xlane v23, v3;
	v28 =	vmul.f32 $1.061405420e+00, v25  }
0xc8: {  	vm3 =	vge.f32 v18, $0.0e+00;
	vm0 =	vlt.s32 v21, v30;
	v18 =	vadd.f32 $-1.453152060e+00, v26  }
0xc9: {  	v12 =	vsel vm0, v21, v30;
	vm0 =	vlt.s32 v23, v27;
	v21 =	vadd.f32 $-1.453152060e+00, v28;
	v24 =	vpop (erf)  }
0xca: {  	v23 =	vsel vm0, v23, v27;
	v26 =	vnsel vm2, $0x0, v24;
	v27 =	vsub.f32 $1.000000000e+00, v24  }
0xcb: {  	vm2 =	veq.s32 v12, v4;
	vm0 =	veq.s32 v23, v4;
	v28 =	vadd.f32 v26, v16  }
0xcc: {  	v23 =	vsel vm0, $0xF149F2CA, v15;
	v15 =	vsel vm2, $0xF149F2CA, v6;
	v16 =	vnsel vm0, $0x0, v27;
	v24 =	vpop (erf)  }
0xcd: {  	v26 =	vperm.xlane v15, v0;
	v27 =	vperm.xlane v23, v0;
	v16 =	vadd.f32 v16, v28;
	v12 =	vpop (erf)  }
0xce: {  	v18 =	vmul.f32 v18, v19;
	v21 =	vmul.f32 v21, v25;
	v28 =	vsub.f32 $0.0e+00, v29  }
0xcf: {  	s18 =	sshra.s32 s16, $0x2;
	s16 =	smov.u32 s15;
	s15 =	smov.u32 s17;
	v20 =	vsel vm4, v20, v22;
	v26 =	vmax.f32 v15, v26;
	v23 =	vmax.f32 v23, v27  }
0xd0: {  	v18 =	vadd.f32 $1.421413780e+00, v18;
	v22 =	vld [tilespmem:s18+$0x0];
	v27 =	vperm.xlane v26, v1;
	v30 =	vperm.xlane v23, v1  }
0xd1: {  	v20 =	vsel vm7, v20, v11;
	v21 =	vadd.f32 $1.421413780e+00, v21;
	v11 =	vsel vm6, v29, v28;
	v31 =	vld [tilespmem:s18+$0x1000]  }
0xd2: {  	v18 =	vmul.f32 v18, v19;
	v28 =	vld [tilespmem:s18+$0x800];
	v26 =	vmax.f32 v26, v27;
	v23 =	vmax.f32 v23, v30  }
0xd3: {  	v20 =	vadd.f32 $1.000000000e+00, v20;
	v27 =	vperm.xlane v26, v2;
	v29 =	vperm.xlane v23, v2  }
0xd4: {  	v21 =	vmul.f32 v21, v25;
	v18 =	vadd.f32 $-2.844967250e-01, v18;
	v30 =	vmul.f32 $5.000000000e-01, v14  }
0xd5: {  	v14 =	vmovc v20;
	v32 =	vperm.xlane v22, v0;
	v26 =	vmax.f32 v26, v27;
	v23 =	vmax.f32 v23, v29  }
0xd6: {  	v21 =	vadd.f32 $-2.844967250e-01, v21;
	(erf) = vrcp.f32 v31;
	v20 =	vperm.xlane v26, v3  }
0xd7: {  	v18 =	vmul.f32 v18, v19;
	v29 =	vperm.xlane v23, v3;
	v27 =	vmax.f32 v22, v32  }
0xd8: {  	v21 =	vmul.f32 v21, v25;
	v31 =	vperm.xlane v27, v1;
	v20 =	vmax.f32 v26, v20  }
0xd9: {  	v23 =	vmax.f32 v23, v29;
	v17 =	vsub.f32 v20, v17;
	v26 =	vsub.f32 v10, v20  }
0xda: {  	v18 =	vadd.f32 $2.548295860e-01, v18;
	v29 =	vsub.f32 v13, v23;
	v13 =	vmovc v10;
	v10 =	vmovc v28;
	v27 =	vmax.f32 v27, v31  }
0xdb: {  	v21 =	vadd.f32 $2.548295860e-01, v21;
	v28 =	vperm.xlane v27, v2;
	v17 =	vmul.f32 $1.442695020e+00, v17  }
0xdc: {  	vm0 =	vgt.f32 v7, v23;
	v7 =	vmovc v6;
	v26 =	vmul.f32 v26, v8;
	v29 =	vmul.f32 v29, v9  }
0xdd: {  	v6 =	vmovc v22;
	v9 =	vmovc v8;
	v23 =	vmax.f32 v27, v28;
	(erf) = vpow2.f32 v17;
	v27 =	vmul.f32 v18, v19  }
0xde: {  	v5 =	vadd.f32 v30, v5;
	v19 =	vmul.f32 $7.071067690e-01, v29;
	v17 =	vperm.xlane v23, v3  }
0xdf: {  	vm4 =	vmmov vm5;
	v21 =	vmul.f32 v21, v25;
	v18 =	vmul.f32 $7.071067690e-01, v26;
	v8 =	vpop (erf)  }
0xe0: {  	v22 =	vand.u32 $0x7FFFFFFF, v19;
	v17 =	vmax.f32 v23, v17;
	v23 =	vmul.f32 v27, v24  }
0xe1: {  	v24 =	vand.u32 $0x7FFFFFFF, v18;
	v25 =	vmul.f32 $3.275910910e-01, v22;
	vm5 =	veq.f32 v6, v17  }
0xe2: {  	v26 =	vnsel vm5, $0x10, v4;
	vm5 =	veq.f32 v15, v20;
	v20 =	vmul.f32 $3.275910910e-01, v24  }
0xe3: {  	v25 =	vadd.f32 $1.000000000e+00, v25;
	v27 =	vperm.xlane v26, v0;
	v28 =	vnsel vm5, $0x10, v4  }
0xe4: {  	v30 =	vsub.f32 $0.0e+00, v22;
	v29 =	vperm.xlane v28, v0;
	v20 =	vadd.f32 $1.000000000e+00, v20  }
0xe5: {  	v31 =	vsub.f32 $0.0e+00, v24;
	vm5 =	vlt.s32 v26, v27;
	(erf) = vrcp.f32 v25  }
0xe6: {  	v25 =	vsel vm5, v26, v27;
	vm5 =	vlt.s32 v28, v29;
	v26 =	vpop (erf);
	(erf) = vrcp.f32 v20  }
0xe7: {  	v27 =	vperm.xlane v25, v1;
	v28 =	vsel vm5, v28, v29;
	v26 =	vadd.f32 $1.000000000e+00, v26  }
.Ltmp0:
0xe8: {  	v22 =	vmul.f32 v30, v22;
	v20 =	vsub.f32 $1.000000000e+00, v23;
	v29 =	vperm.xlane v28, v1;
	(pc) =	sbr.rel @p0 .LBB2_2-.Ltmp0, $4  }
0xe9: {  	v30 =	vmul.f32 v31, v24;
	vm5 =	vlt.s32 v25, v27;
	(erf) = vrcp.f32 v26  }
0xea: {  	v22 =	vmul.f32 $1.442695020e+00, v22;
	v24 =	vsel vm5, v25, v27;
	vm5 =	vlt.s32 v28, v29  }
0xeb: {  	v27 =	vmul.f32 $1.442695020e+00, v30;
	v25 =	vperm.xlane v24, v2;
	v23 =	vsel vm5, v28, v29  }
0xec: {  	s17 =	sadd.s32 $0x40, s17;
	v26 =	vperm.xlane v23, v2;
	(erf) = vpow2.f32 v22;
	v22 =	vsub.f32 $0.0e+00, v20  }
0xed: {  	vm5 =	vlt.s32 v24, v25  }
0xee: {  	(erf) = vpow2.f32 v27;
	v12 =	vmul.f32 v21, v12;
	vm7 =	vmmov vm3  }
0xef: {  	vm1 =	vmmov vm1;
	vm3 =	vge.f32 v18, $0.0e+00;
	vm0 =	vmmov vm0  }
0xf0: {  	v42 =	vsel vm5, v24, v25;
	vm11 =	vlt.s32 v23, v26;
	vm5 =	vge.f32 v19, $0.0e+00  }
0xf1: {  	s16 =	sshra.s32 s16, $0x2;
	v24 =	vpop (erf);
	v20 =	vsel vm4, v20, v22;
	vm3 =	vmmov vm3;
	v25 =	vperm.xlane v42, v3  }
0xf2: {  	v32 =	vld [tilespmem:s16+$0x1000];
	v23 =	vsel vm11, v23, v26;
	v26 =	vpop (erf);
	v43 =	vmul.f32 $1.061405420e+00, v24;
	v29 =	vsub.f32 $1.000000000e+00, v12  }
0xf3: {  	vm5 =	vmmov vm5;
	v44 =	vperm.xlane v23, v3;
	v28 =	vmul.f32 $1.061405420e+00, v26  }
0xf4: {  	v12 =	vld [tilespmem:s16+$0x0];
	vm6 =	vlt.s32 v42, v25;
	v27 =	vadd.f32 $-1.453152060e+00, v43;
	v55 =	vsub.f32 $0.0e+00, v29  }
0xf5: {  	v45 =	vsel vm6, v42, v25;
	vm12 =	vlt.s32 v23, v44;
	v46 =	vpop (erf);
	v47 =	vadd.f32 $-1.453152060e+00, v28  }
0xf6: {  	v19 =	vsel vm12, v23, v44;
	v48 =	vnsel vm2, $0x0, v46;
	v21 =	vsub.f32 $1.000000000e+00, v46  }
0xf7: {  	vm6 =	veq.s32 v45, v4;
	v54 =	vmul.f32 v27, v24;
	(erf) = vrcp.f32 v32  }
0xf8: {  	vm13 =	veq.s32 v19, v4;
	v16 =	vadd.f32 v48, v16;
	v19 =	vsel vm6, $0xF149F2CA, v6  }
0xf9: {  	v51 =	vperm.xlane v12, v0;
	v53 =	vmul.f32 v47, v26;
	v15 =	vsel vm13, $0xF149F2CA, v15  }
0xfa: {  	v49 =	vnsel vm13, $0x0, v21;
	v50 =	vperm.xlane v19, v0;
	v25 =	vadd.f32 $1.421413780e+00, v54  }
0xfb: {  	v52 =	vperm.xlane v15, v0;
	v18 =	vadd.f32 v49, v16;
	v23 =	vmax.f32 v12, v51  }
0xfc: {  	s15 =	sshra.s32 s15, $0x2;
	v31 =	vadd.f32 $1.421413780e+00, v53;
	v16 =	vsel vm1, v20, v11;
	v21 =	vmax.f32 v19, v50  }
0xfd: {  	v11 =	vld [tilespmem:s15+$0x0];
	v56 =	vperm.xlane v23, v1;
	v61 =	vmul.f32 v25, v24;
	v16 =	vadd.f32 $1.000000000e+00, v16  }
0xfe: {  	v28 =	vmax.f32 v15, v52;
	v57 =	vperm.xlane v21, v1;
	v33 =	vmul.f32 v31, v26  }
0xff: {  	v30 =	vperm.xlane v28, v1;
	v23 =	vmax.f32 v23, v56;
	v22 =	vadd.f32 $-2.844967250e-01, v61  }
0x100: {  	v58 =	vperm.xlane v23, v2;
	v59 =	vmax.f32 v21, v57;
	v36 =	vadd.f32 $-2.844967250e-01, v33  }
0x101: {  	v60 =	vmax.f32 v28, v30;
	v62 =	vperm.xlane v59, v2;
	v30 =	vmul.f32 $5.000000000e-01, v14  }
0x102: {  	v15 =	vsel vm7, v29, v55;
	v22 =	vmul.f32 v22, v24;
	v40 =	vperm.xlane v11, v0  }
0x103: {  	v63 =	vperm.xlane v60, v2;
	v23 =	vmax.f32 v23, v58;
	v25 =	vmul.f32 v36, v26  }
0x104: {  	v34 =	vperm.xlane v23, v3;
	v35 =	vmax.f32 v59, v62;
	v42 =	vmax.f32 v11, v40  }
0x105: {  	v22 =	vadd.f32 $2.548295860e-01, v22;
	v5 =	vadd.f32 v30, v5;
	v21 =	vmax.f32 v60, v63  }
0x106: {  	v37 =	vperm.xlane v35, v3;
	v43 =	vperm.xlane v42, v1;
	v25 =	vadd.f32 $2.548295860e-01, v25  }
0x107: {  	v20 =	vmax.f32 v23, v34;
	v27 =	vperm.xlane v21, v3;
	v22 =	vmul.f32 v22, v24  }
0x108: {  	vm14 =	veq.f32 v12, v20;
	v14 =	vmax.f32 v35, v37;
	v48 =	vmul.f32 v25, v26  }
0x109: {  	v47 =	vpop (erf);
	v38 =	vnsel vm14, $0x10, v4;
	v17 =	vsub.f32 v14, v17;
	v41 =	vsub.f32 v10, v14  }
0x10a: {  	v21 =	vmax.f32 v21, v27;
	v27 =	vmax.f32 v42, v43;
	v22 =	vmul.f32 v22, v47  }
0x10b: {  	vm7 =	veq.f32 v19, v14;
	v39 =	vperm.xlane v38, v0;
	v13 =	vsub.f32 v13, v21  }
0x10c: {  	v45 =	vperm.xlane v27, v2;
	v54 =	vnsel vm7, $0x10, v4;
	v17 =	vmul.f32 $1.442695020e+00, v17  }
0x10d: {  	v31 =	vmul.f32 v41, v8;
	v56 =	vperm.xlane v54, v0;
	vm1 =	vlt.s32 v38, v39  }
0x10e: {  	v22 =	vsub.f32 $1.000000000e+00, v22;
	v9 =	vmul.f32 v13, v9;
	v23 =	vsel vm1, v38, v39  }
0x10f: {  	v34 =	vpop (erf);
	(erf) = vpow2.f32 v17;
	v17 =	vmax.f32 v27, v45;
	vm10 =	vlt.s32 v54, v56  }
0x110: {  	v45 =	vmul.f32 v48, v34;
	v47 =	vsub.f32 $0.0e+00, v22;
	v44 =	vperm.xlane v23, v1  }
0x111: {  	v13 =	vmul.f32 $7.071067690e-01, v9;
	v9 =	vmul.f32 $7.071067690e-01, v31;
	v28 =	vsel vm10, v54, v56  }
0x112: {  	vm4 =	vgt.f32 v7, v21;
	v7 =	vperm.xlane v17, v3;
	v33 =	vperm.xlane v28, v1  }
0x113: {  	v22 =	vsel vm5, v22, v47;
	vm1 =	vlt.s32 v23, v44;
	v49 =	vand.u32 $0x7FFFFFFF, v13  }
0x114: {  	v50 =	vand.u32 $0x7FFFFFFF, v9;
	v7 =	vmax.f32 v17, v7;
	v23 =	vsel vm1, v23, v44  }
0x115: {  	v51 =	vmul.f32 $3.275910910e-01, v49;
	vm15 =	veq.f32 v11, v7;
	v46 =	vperm.xlane v23, v2  }
0x116: {  	v52 =	vmul.f32 $3.275910910e-01, v50;
	v59 =	vsub.f32 $0.0e+00, v49;
	v53 =	vnsel vm15, $0x10, v4  }
0x117: {  	vm7 =	vlt.s32 v28, v33;
	v55 =	vperm.xlane v53, v0;
	vm1 =	vlt.s32 v23, v46  }
0x118: {  	v60 =	vsub.f32 $0.0e+00, v50;
	v63 =	vsel vm7, v28, v33;
	v23 =	vsel vm1, v23, v46  }
0x119: {  	v17 =	vadd.f32 $1.000000000e+00, v51;
	vm9 =	vlt.s32 v53, v55;
	v24 =	vperm.xlane v23, v3  }
0x11a: {  	v33 =	vperm.xlane v63, v2;
	v25 =	vmul.f32 v59, v49;
	v27 =	vsel vm9, v53, v55  }
0x11b: {  	v26 =	vmul.f32 v60, v50;
	v29 =	vperm.xlane v27, v1;
	vm8 =	vlt.s32 v23, v24  }
0x11c: {  	(erf) = vrcp.f32 v17;
	vm7 =	vlt.s32 v63, v33;
	v23 =	vsel vm8, v23, v24  }
0x11d: {  	vm1 =	vlt.s32 v27, v29;
	v24 =	vsel vm7, v63, v33;
	vm2 =	veq.s32 v23, v4  }
0x11e: {  	v27 =	vsel vm1, v27, v29;
	v38 =	vperm.xlane v24, v3;
	v23 =	vsel vm2, $0xF149F2CA, v12  }
0x11f: {  	v57 =	vadd.f32 $1.000000000e+00, v52;
	v36 =	vperm.xlane v27, v2;
	v58 =	vperm.xlane v23, v0  }
0x120: {  	v25 =	vmul.f32 $1.442695020e+00, v25;
	v26 =	vmul.f32 $1.442695020e+00, v26;
	vm7 =	vlt.s32 v24, v38  }
0x121: {  	v14 =	vpop (erf);
	vm1 =	vlt.s32 v27, v36;
	v24 =	vsel vm7, v24, v38;
	v61 =	vmax.f32 v23, v58  }
0x122: {  	v62 =	vpop (erf);
	v27 =	vsel vm1, v27, v36;
	vm12 =	veq.s32 v24, v4;
	v35 =	vperm.xlane v61, v1  }
0x123: {  	v29 =	vadd.f32 $1.000000000e+00, v62;
	v28 =	vperm.xlane v27, v3;
	v41 =	vsel vm12, $0xF149F2CA, v19  }
0x124: {  	(erf) = vrcp.f32 v57;
	v43 =	vperm.xlane v41, v0;
	v17 =	vmax.f32 v61, v35  }
0x125: {  	(erf) = vrcp.f32 v29;
	vm1 =	vlt.s32 v27, v28;
	v37 =	vperm.xlane v17, v2  }
0x126: {  	v51 =	vld [tilespmem:s15+$0x1000];
	(erf) = vpow2.f32 v25;
	v27 =	vsel vm1, v27, v28;
	v25 =	vmax.f32 v41, v43  }
0x127: {  	vm1 =	veq.s32 v27, v4;
	v48 =	vperm.xlane v25, v1;
	v17 =	vmax.f32 v17, v37  }
0x128: {  	v33 =	vld [tilespmem:s16+$0x800];
	v29 =	vsub.f32 $1.000000000e+00, v45;
	v24 =	vsel vm1, $0xF149F2CA, v11;
	v39 =	vperm.xlane v17, v3  }
0x129: {  	(erf) = vpow2.f32 v26;
	v42 =	vperm.xlane v24, v0;
	v25 =	vmax.f32 v25, v48  }
0x12a: {  	v53 =	vsub.f32 $0.0e+00, v29;
	v32 =	vperm.xlane v25, v2;
	v17 =	vmax.f32 v17, v39  }
0x12b: {  	v19 =	vpop (erf);
	(erf) = vrcp.f32 v51;
	v44 =	vmax.f32 v24, v42;
	vm11 =	veq.f32 v23, v17  }
0x12c: {  	v46 =	vperm.xlane v44, v1;
	v25 =	vmax.f32 v25, v32;
	v20 =	vsub.f32 v17, v20  }
0x12d: {  	v17 =	vsub.f32 v33, v17;
	v40 =	vnsel vm11, $0x10, v4;
	v55 =	vperm.xlane v25, v3  }
0x12e: {  	v49 =	vperm.xlane v40, v0;
	v26 =	vmax.f32 v44, v46;
	v20 =	vmul.f32 $1.442695020e+00, v20  }
0x12f: {  	v21 =	vpop (erf);
	v36 =	vmul.f32 v17, v14;
	v28 =	vperm.xlane v26, v2;
	v25 =	vmax.f32 v25, v55  }
0x130: {  	v55 =	vmul.f32 $1.061405420e+00, v21;
	vm13 =	vlt.s32 v40, v49;
	v56 =	vsub.f32 v10, v25  }
0x131: {  	v31 =	vpop (erf);
	(erf) = vpow2.f32 v20;
	v27 =	vsel vm13, v40, v49;
	v26 =	vmax.f32 v26, v28  }
0x132: {  	v50 =	vnsel vm6, $0x0, v31;
	v52 =	vperm.xlane v27, v1;
	v54 =	vperm.xlane v26, v3  }
0x133: {  	v34 =	vadd.f32 v50, v18;
	v59 =	vmul.f32 v56, v8;
	v8 =	vmul.f32 $7.071067690e-01, v36  }
0x134: {  	vm13 =	vmmov vm4;
	vm6 =	vlt.s32 v27, v52;
	v26 =	vmax.f32 v26, v54  }
0x135: {  	v17 =	vmul.f32 $7.071067690e-01, v59;
	v40 =	vand.u32 $0x7FFFFFFF, v8;
	v18 =	vsel vm6, v27, v52  }
0x136: {  	vm14 =	veq.f32 v24, v26;
	v42 =	vmul.f32 $3.275910910e-01, v40;
	v50 =	vsub.f32 $0.0e+00, v40  }
0x137: {  	v7 =	vsub.f32 v26, v7;
	v27 =	vperm.xlane v18, v2;
	v57 =	vnsel vm14, $0x10, v4  }
0x138: {  	v63 =	vand.u32 $0x7FFFFFFF, v17;
	vm14 =	vge.f32 v13, $0.0e+00;
	v58 =	vperm.xlane v57, v0  }
0x139: {  	v59 =	vld [tilespmem:s15+$0x800];
	v41 =	vmul.f32 $3.275910910e-01, v63;
	v45 =	vadd.f32 $1.000000000e+00, v42;
	v46 =	vsub.f32 $0.0e+00, v63  }
0x13a: {  	v28 =	vmul.f32 v50, v40;
	vm15 =	vlt.s32 v18, v27;
	vm9 =	vlt.s32 v57, v58  }
0x13b: {  	vm8 =	vmmov vm14;
	v60 =	vsel vm15, v18, v27;
	v61 =	vsel vm9, v57, v58  }
0x13c: {  	v37 =	vpop (erf);
	vm14 =	vge.f32 v17, $0.0e+00;
	v18 =	vperm.xlane v60, v3;
	v62 =	vperm.xlane v61, v1  }
0x13d: {  	v47 =	vpop (erf);
	v7 =	vmul.f32 $1.442695020e+00, v7;
	vm4 =	vmmov vm14;
	v28 =	vmul.f32 $1.442695020e+00, v28  }
0x13e: {  	v49 =	vpop (erf);
	v26 =	vsub.f32 v59, v26;
	vm10 =	vlt.s32 v60, v18;
	vm6 =	vlt.s32 v61, v62  }
0x13f: {  	v51 =	vpop (erf);
	vm15 =	vgt.f32 v6, v25;
	v10 =	vsel vm10, v60, v18;
	v20 =	vsel vm6, v61, v62  }
0x140: {  	v36 =	vadd.f32 $1.000000000e+00, v51;
	vm5 =	veq.s32 v10, v4;
	v44 =	vperm.xlane v20, v2  }
0x141: {  	v57 =	vadd.f32 $-1.453152060e+00, v55;
	vm9 =	vmmov vm13;
	v23 =	vsel vm5, $0xF149F2CA, v23  }
0x142: {  	v26 =	vmul.f32 v26, v49;
	v43 =	vperm.xlane v23, v0;
	vm11 =	vlt.s32 v20, v44  }
0x143: {  	v18 =	vadd.f32 $1.000000000e+00, v41;
	v10 =	vsel vm3, v29, v53;
	v20 =	vsel vm11, v20, v44  }
0x144: {  	v29 =	vmul.f32 v46, v63;
	v48 =	vmax.f32 v23, v43;
	v52 =	vperm.xlane v20, v3  }
0x145: {  	vm13 =	vmmov vm15;
	(erf) = vrcp.f32 v18;
	v27 =	vperm.xlane v48, v1  }
0x146: {  	v53 =	vmul.f32 $1.061405420e+00, v19;
	(erf) = vrcp.f32 v45;
	vm3 =	vlt.s32 v20, v52  }
0x147: {  	v29 =	vmul.f32 $1.442695020e+00, v29;
	v18 =	vmax.f32 v48, v27;
	v20 =	vsel vm3, v20, v52  }
0x148: {  	(erf) = vrcp.f32 v36;
	v54 =	vperm.xlane v18, v2;
	vm3 =	veq.s32 v20, v4  }
0x149: {  	(erf) = vpow2.f32 v29;
	v27 =	vadd.f32 $-1.453152060e+00, v53;
	v24 =	vsel vm3, $0xF149F2CA, v24  }
0x14a: {  	v29 =	vmul.f32 v57, v21;
	v18 =	vmax.f32 v18, v54;
	v58 =	vperm.xlane v24, v0  }
0x14b: {  	vm15 =	vge.f32 v8, $0.0e+00;
	v27 =	vmul.f32 v27, v19;
	v56 =	vperm.xlane v18, v3  }
0x14c: {  	(erf) = vpow2.f32 v28;
	v61 =	vadd.f32 $1.421413780e+00, v29;
	v20 =	vmax.f32 v24, v58  }
0x14d: {  	v27 =	vadd.f32 $1.421413780e+00, v27;
	v18 =	vmax.f32 v18, v56;
	v62 =	vperm.xlane v20, v1  }
0x14e: {  	(erf) = vpow2.f32 v7;
	v7 =	vmul.f32 v61, v21;
	v60 =	vsub.f32 v33, v18  }
0x14f: {  	v13 =	vmul.f32 $7.071067690e-01, v26;
	v27 =	vmul.f32 v27, v19;
	v20 =	vmax.f32 v20, v62  }
0x150: {  	v7 =	vadd.f32 $-2.844967250e-01, v7;
	v14 =	vmul.f32 v60, v14;
	v33 =	vperm.xlane v20, v2  }
0x151: {  	v63 =	vsub.f32 $1.000000000e+00, v31;
	v46 =	vmul.f32 $5.000000000e-01, v16;
	v27 =	vadd.f32 $-2.844967250e-01, v27  }
0x152: {  	v32 =	vmul.f32 v7, v21;
	v7 =	vmul.f32 $7.071067690e-01, v14;
	v14 =	vmax.f32 v20, v33  }
0x153: {  	v41 =	vand.u32 $0x7FFFFFFF, v13;
	v27 =	vmul.f32 v27, v19;
	v6 =	vperm.xlane v14, v3  }
0x154: {  	v31 =	vnsel vm12, $0x0, v63;
	vm12 =	vmmov vm0;
	v36 =	vadd.f32 $2.548295860e-01, v32  }
0x155: {  	v5 =	vadd.f32 v46, v5;
	v38 =	vand.u32 $0x7FFFFFFF, v7;
	v6 =	vmax.f32 v14, v6  }
0x156: {  	v40 =	vpop (erf);
	v21 =	vmul.f32 v36, v21;
	v39 =	vmul.f32 $3.275910910e-01, v38;
	v28 =	vsub.f32 v59, v6  }
0x157: {  	v42 =	vmul.f32 $3.275910910e-01, v41;
	v24 =	vadd.f32 v31, v34;
	v34 =	vadd.f32 $2.548295860e-01, v27;
	v27 =	vpop (erf)  }
0x158: {  	v21 =	vmul.f32 v21, v47;
	v43 =	vpop (erf);
	v20 =	vadd.f32 $1.000000000e+00, v39;
	v47 =	vmul.f32 v28, v49  }
0x159: {  	v50 =	vmul.f32 $1.061405420e+00, v40;
	v45 =	vsub.f32 $0.0e+00, v38;
	v14 =	vadd.f32 $1.000000000e+00, v42;
	v44 =	vpop (erf)  }
0x15a: {  	v23 =	vpop (erf);
	(erf) = vrcp.f32 v20;
	v49 =	vsub.f32 $0.0e+00, v41;
	v16 =	vmul.f32 $7.071067690e-01, v47  }
0x15b: {  	v15 =	vsel vm12, v22, v15;
	v48 =	vpop (erf);
	v20 =	vmul.f32 v45, v38;
	(erf) = vrcp.f32 v14  }
0x15c: {  	v14 =	vadd.f32 $1.000000000e+00, v48;
	v25 =	vmul.f32 v49, v41;
	v51 =	vand.u32 $0x7FFFFFFF, v16  }
0x15d: {  	vm12 =	vge.f32 v9, $0.0e+00;
	v20 =	vmul.f32 $1.442695020e+00, v20;
	v52 =	vmul.f32 $3.275910910e-01, v51  }
0x15e: {  	v9 =	vadd.f32 $-1.453152060e+00, v50;
	(erf) = vrcp.f32 v14;
	v25 =	vmul.f32 $1.442695020e+00, v25  }
0x15f: {  	vm0 =	vmmov vm13;
	(erf) = vpow2.f32 v20;
	v20 =	vadd.f32 $1.000000000e+00, v52  }
0x160: {  	v15 =	vadd.f32 $1.000000000e+00, v15;
	v9 =	vmul.f32 v9, v40;
	(erf) = vpow2.f32 v25  }
0x161: {  	vm11 =	vge.f32 v13, $0.0e+00;
	v53 =	vmul.f32 $1.061405420e+00, v27;
	(erf) = vrcp.f32 v20  }
0x162: {  	v15 =	vmul.f32 $5.000000000e-01, v15;
	v9 =	vadd.f32 $1.421413780e+00, v9;
	v19 =	vmul.f32 v34, v19  }
0x163: {  	vm7 =	vmmov vm12;
	vm14 =	vmmov vm11;
	v26 =	vadd.f32 $-1.453152060e+00, v53  }
0x164: {  	v5 =	vadd.f32 v15, v5;
	v9 =	vmul.f32 v9, v40;
	v19 =	vmul.f32 v19, v37  }
0x165: {  	v58 =	vsub.f32 $1.000000000e+00, v21;
	vm10 =	vge.f32 v7, $0.0e+00;
	v55 =	vmul.f32 v26, v27;
	v59 =	vpop (erf)  }
0x166: {  	v9 =	vadd.f32 $-2.844967250e-01, v9;
	vm13 =	vmmov vm10;
	v19 =	vsub.f32 $1.000000000e+00, v19;
	v62 =	vpop (erf)  }
0x167: {  	v61 =	vsub.f32 $0.0e+00, v58;
	v56 =	vnsel vm2, $0x0, v43;
	v20 =	vadd.f32 $1.421413780e+00, v55;
	v63 =	vpop (erf)  }
0x168: {  	v57 =	vsub.f32 $1.000000000e+00, v43;
	v9 =	vmul.f32 v9, v40;
	v54 =	vsub.f32 $0.0e+00, v19;
	v34 =	vpop (erf)  }
0x169: {  	vm2 =	vmmov vm15;
	v33 =	vmul.f32 $1.061405420e+00, v59;
	v20 =	vmul.f32 v20, v27;
	v35 =	vpop (erf)  }
0x16a: {  	v9 =	vadd.f32 $2.548295860e-01, v9;
	v19 =	vsel vm8, v19, v54;
	v36 =	vmul.f32 $1.061405420e+00, v62;
	v37 =	vpop (erf)  }
0x16b: {  	v32 =	vadd.f32 $-2.844967250e-01, v20;
	v20 =	vadd.f32 $-1.453152060e+00, v33;
	v38 =	vmul.f32 $1.061405420e+00, v37  }
0x16c: {  	v9 =	vmul.f32 v9, v40;
	v10 =	vsel vm9, v19, v10;
	v29 =	vadd.f32 $-1.453152060e+00, v36  }
0x16d: {  	v39 =	vsub.f32 $0.0e+00, v51;
	v20 =	vmul.f32 v20, v59;
	v40 =	vadd.f32 $-1.453152060e+00, v38  }
0x16e: {  	vm9 =	vgt.f32 v12, v18;
	v17 =	vmul.f32 v32, v27;
	v41 =	vmul.f32 v29, v62  }
0x16f: {  	v12 =	vmul.f32 v39, v51;
	v20 =	vadd.f32 $1.421413780e+00, v20;
	v42 =	vmul.f32 v40, v37  }
0x170: {  	v9 =	vmul.f32 v9, v44;
	v17 =	vadd.f32 $2.548295860e-01, v17;
	v44 =	vadd.f32 $1.421413780e+00, v41  }
0x171: {  	v12 =	vmul.f32 $1.442695020e+00, v12;
	v45 =	vmul.f32 v20, v59;
	v14 =	vadd.f32 $1.421413780e+00, v42  }
0x172: {  	vm12 =	vgt.f32 v11, v6;
	v43 =	vmul.f32 v17, v27;
	v17 =	vmul.f32 v44, v62  }
0x173: {  	(erf) = vpow2.f32 v12;
	v18 =	vadd.f32 $-2.844967250e-01, v45;
	v47 =	vmul.f32 v14, v37  }
0x174: {  	v24 =	vadd.f32 v56, v24;
	v8 =	vsel vm7, v58, v61;
	v49 =	vadd.f32 $-2.844967250e-01, v17  }
0x175: {  	v60 =	vnsel vm5, $0x0, v57;
	v50 =	vmul.f32 v18, v59;
	v12 =	vadd.f32 $-2.844967250e-01, v47  }
0x176: {  	v24 =	vadd.f32 v60, v24;
	vm15 =	vge.f32 v16, $0.0e+00;
	v15 =	vmul.f32 v49, v62  }
0x177: {  	v10 =	vadd.f32 $1.000000000e+00, v10;
	v17 =	vadd.f32 $2.548295860e-01, v50;
	v7 =	vmul.f32 v12, v37  }
0x178: {  	v9 =	vsub.f32 $1.000000000e+00, v9;
	vm5 =	vmmov vm9;
	v15 =	vadd.f32 $2.548295860e-01, v15  }
0x179: {  	v54 =	vmul.f32 $5.000000000e-01, v10;
	v17 =	vmul.f32 v17, v59;
	v7 =	vadd.f32 $2.548295860e-01, v7  }
0x17a: {  	v46 =	vsub.f32 $0.0e+00, v9;
	v48 =	vmul.f32 v43, v23;
	v52 =	vmul.f32 v15, v62  }
0x17b: {  	vm5 =	vmmov vm5;
	v53 =	vmul.f32 v17, v34;
	v7 =	vmul.f32 v7, v37  }
0x17c: {  	v9 =	vsel vm4, v9, v46;
	v56 =	vpop (erf);
	v14 =	vsub.f32 $1.000000000e+00, v48;
	v13 =	vmul.f32 v52, v35  }
0x17d: {  	v5 =	vadd.f32 v54, v5;
	v55 =	vsub.f32 $1.000000000e+00, v53;
	v6 =	vmul.f32 v7, v56  }
0x17e: {  	v8 =	vsel vm0, v9, v8;
	v51 =	vsub.f32 $0.0e+00, v14;
	v57 =	vsub.f32 $1.000000000e+00, v13  }
0x17f: {  	vm0 =	vmmov vm12;
	v7 =	vsub.f32 $0.0e+00, v55;
	v6 =	vsub.f32 $1.000000000e+00, v6  }
0x180: {  	v8 =	vadd.f32 $1.000000000e+00, v8;
	vm0 =	vmmov vm0;
	v12 =	vsel vm2, v14, v51  }
0x181: {  	v58 =	vsub.f32 $0.0e+00, v57;
	v7 =	vsel vm13, v55, v7;
	v59 =	vsub.f32 $0.0e+00, v6  }
0x182: {  	v8 =	vmul.f32 $5.000000000e-01, v8;
	vm2 =	vmmov vm15;
	v7 =	vsel vm5, v7, v12  }
0x183: {  	v9 =	vsel vm14, v57, v58;
	v7 =	vadd.f32 $1.000000000e+00, v7;
	v6 =	vsel vm2, v6, v59  }
0x184: {  	v60 =	vnsel vm1, $0x0, v63;
	v61 =	vsub.f32 $1.000000000e+00, v63;
	v6 =	vsel vm0, v6, v9  }
0x185: {  	v5 =	vadd.f32 v8, v5;
	v7 =	vmul.f32 $5.000000000e-01, v7;
	v6 =	vadd.f32 $1.000000000e+00, v6  }
0x186: {  	v62 =	vadd.f32 v60, v24  }
0x187: {  	v63 =	vnsel vm3, $0x0, v61;
	v5 =	vadd.f32 v7, v5;
	v6 =	vmul.f32 $5.000000000e-01, v6  }
0x188: {  	v7 =	vadd.f32 v63, v62  }
0x189: {  	v5 =	vadd.f32 v6, v5  }
0x18a: {  	[tilespmem:$0x1800] =	vst v7  }
0x18b: {  	[tilespmem:$0x1880] =	vst v5  }
0x18c: {  	[hbm4b:s6+s0] =	stream.linear.scatter [tilespmem:s12], [sflag:$0x1], $0x10, $0x38;
	[tilespmem:$0x1900] =	vst v63  }
0x18d: {  	s14 =	sadd.s32 $0x1, s14;
	_ =	swait.ge [sflag:s9], $0x10  }
0x18e: {  	p0 =	sne.s32 s14, s8;
	[sflag:s9] =	ssyncset.done $0x0  }
.Ltmp1:
0x18f: {  	[sflag:s9] =	ssyncadd.s32 $0xFFFFFFF0;
	(pc) =	sbr.rel @p0 .LBB2_1-.Ltmp1, $4  }
0x190: {  	[hbm4b:s7+s0] =	stream.linear.scatter [tilespmem:s13], [sflag:$0x1], $0x10, $0x38;
	[tilespmem:$0x1900] =	vst v63  }
0x191: {  	_ =	swait.ge [sflag:s9], $0x10  }
0x192: {  	[sflag:s9] =	ssyncset.done $0x0  }
0x193: {  	[sflag:s9] =	ssyncadd.s32 $0xFFFFFFF0  }
0x194: {  	_ =	sfence.sel $0x180000  }
0x195: {  	[bflag:$0x0] =	sbarrier.arrive $0xFFFF  }
0x196: {  	p0 =	sne.s32 s1, $0x0;
	_ =	strace $0x90000047  }
0x197: {  	s0 =	sadd.s32 @!p0 $0x100000, s2;
	[bflag:$0x2] =	sbarrier.arrive $0xFFFF  }
0x198: {  	[sflag:s0] =	ssyncadd.tile.s32 @!p0 $0x1;
	_ =	shalt  }
.Lfunc_end2:
_tile_overlayer_lowered:
.L_overlay_start_2:
0x199: {  	(tag) =	ssettag $0x2  }
0x19a: {  	s0 =	rddreg [dreg:$0x0];
	s2 =	stileid.u32  }
0x19b: {  	s1 =	rddreg [dreg:$0x1];
	p0 =	sne.s32 s2, $0x0  }
0x19c: {  	s3 =	rddreg [dreg:$0x2];
	[bflag:$0x3] =	sbarrier.arrive $0xFFFF;
	s2 =	simm.s32 @!p0 $0x1C01  }
0x19d: {  	[timem:s3], [sflag:s2] =	dma.local @!p0 [hbm:s0], s1  }
0x19e: {  	s0 =	simm.s32 @!p0 $0x1  }
0x19f: {  	_ =	swait.ge @!p0 [sflag:s0], s1  }
0x1a0: {  	s1 =	ssub.s32 @!p0 $0x0, s1;
	[sflag:s0] =	ssyncset.done @!p0 $0x0  }
0x1a1: {  	[sflag:s0] =	ssyncadd.s32 @!p0 s1  }
0x1a2: {  	[bflag:$0x3] =	sbarrier.arrive $0xFFFF  }
0x1a3: {  	_ =	shalt  }

</sc_bundles>
